<compile_context>
chip_gen: v7x
topology: tpu7x:2x2x1
jax: 0.10.2.dev20260603
libtpu: 0.0.44.dev20260713+nightly
codegen_flags: <defaults>
</compile_context>

<pallas_src>
import jax
import jax.numpy as jnp
import numpy as np
from jax import lax
from jax.experimental import pallas as pl
from jax.experimental.pallas import tpu as pltpu
from jax.experimental.pallas import tpu_sc as plsc

HIDDEN = 768
NUM_POS = 577
WIDTH = 24
N = 131072

NC = 2
NS = 16
NW = NC * NS
RPW = N // NW
C = 16
NCH = RPW // C
NVEC = RPW // 16

_DENOM = np.float32(2.0 + 1e-6)


def _sc_body(pos_hbm, table_hbm, out_hbm, table_sh, pos_v, idx_v, rows0,
             rows1, g0, g1, s0, s1):
    sid = lax.axis_index("s")
    wid = sid * NC + lax.axis_index("c")
    base = wid * RPW
    rows = (rows0, rows1)
    gsem = (g0, g1)
    ssem = (s0, s1)

    @pl.when(sid == 0)
    def _stage_table():
        pltpu.sync_copy(table_hbm, table_sh)

    def _row(i):
        return table_sh.at[pl.ds(i * HIDDEN, HIDDEN)]

    pltpu.sync_copy(pos_hbm.at[pl.ds(base, RPW)], pos_v.at[pl.ds(0, RPW)])
    pltpu.sync_copy(
        pos_hbm.at[pl.ds(N + base, RPW)], pos_v.at[pl.ds(RPW, RPW)]
    )

    def _compute(v):
        xs = pos_v[pl.ds(v * 16, 16)]
        ys = pos_v[pl.ds(RPW + v * 16, 16)]
        fx = (((xs + 1.0) / _DENOM) * np.float32(WIDTH)).astype(jnp.int32)
        fy = (((ys + 1.0) / _DENOM) * np.float32(WIDTH)).astype(jnp.int32)
        idx_v[pl.ds(v * 16, 16)] = fx * WIDTH + fy

    HEAD = 2 * (C // 16)
    pl.loop(0, HEAD)(_compute)

    plsc.subcore_barrier()

    def _fire_rows(b, ch):
        for s in range(C // 16):
            ivec = idx_v[pl.ds(ch * C + s * 16, 16)]
            for k in range(16):
                pltpu.async_copy(
                    _row(ivec[k]), rows[b].at[s * 16 + k], gsem[b]
                )

    def _drain_rows(b):
        pltpu.make_async_copy(
            out_hbm.at[pl.ds(base, C)], rows[b], gsem[b]
        ).wait()

    def _scatter(b, ch):
        pltpu.async_copy(
            rows[b], out_hbm.at[pl.ds(base + ch * C, C)], ssem[b]
        )

    def _wait_scatter(b, ch):
        pltpu.make_async_copy(
            rows[b], out_hbm.at[pl.ds(base + ch * C, C)], ssem[b]
        ).wait()

    _fire_rows(0, 0)

    pl.loop(HEAD, NVEC)(_compute)

    @pl.loop(0, NCH, step=2)
    def _move(ch0):
        for b in range(2):
            ch = ch0 + b
            b1 = 1 - b
            nxt = ch + 1

            @pl.when(nxt < NCH)
            def _prefetch():
                @pl.when(nxt >= 2)
                def _reclaim():
                    _wait_scatter(b1, nxt - 2)

                _fire_rows(b1, nxt)

            _drain_rows(b)
            _scatter(b, ch)

    _wait_scatter((NCH - 2) % 2, NCH - 2)
    _wait_scatter((NCH - 1) % 2, NCH - 1)


@jax.jit
def _sc_embed(pos_tflat, table_flat):
    mesh = plsc.VectorSubcoreMesh(
        core_axis_name="c", subcore_axis_name="s", num_cores=NC, num_subcores=NS
    )
    return pl.kernel(
        _sc_body,
        out_type=jax.ShapeDtypeStruct((N, HIDDEN), jnp.float32),
        mesh=mesh,
        scratch_types=[
            pltpu.VMEM_SHARED((NUM_POS * HIDDEN,), jnp.float32),
            pltpu.VMEM((2 * RPW,), jnp.float32),
            pltpu.VMEM((RPW,), jnp.int32),
            pltpu.VMEM((C, HIDDEN), jnp.float32),
            pltpu.VMEM((C, HIDDEN), jnp.float32),
            pltpu.SemaphoreType.DMA,
            pltpu.SemaphoreType.DMA,
            pltpu.SemaphoreType.DMA,
            pltpu.SemaphoreType.DMA,
        ],
        compiler_params=pltpu.CompilerParams(needs_layout_passes=False),
    )(pos_tflat, table_flat)


def kernel(pos, positional_embeddings):
    pos_tflat = pos.T.reshape(2 * N)
    table_flat = positional_embeddings.reshape(NUM_POS * HIDDEN)
    out = _sc_embed(pos_tflat, table_flat)
    return out.reshape(1, N, HIDDEN)

# --- scband reference (transcript-rebuilt; emitter-appended) ---
"""Pipeline reference for scband-uv-pos-embedding-15745350107907 (READ-ONLY COPY).

The authoritative reference and input builder live on the scoring server;
editing this copy changes nothing except your own understanding.
"""

import jax, jax.numpy as jnp
import numpy as np

HIDDEN_SIZE = 768
PATCH_SIZE = 16
IMG_DIM = 384
WIDTH_POS = IMG_DIM // PATCH_SIZE  # 24
NUM_POS = WIDTH_POS ** 2 + 1       # 577
N = 131072


def setup_inputs(seed: int = 0) -> dict:
    key = jax.random.key(seed)
    k1, k2 = jax.random.split(key)
    # pos in [0, 1): after (pos+1)/2 -> [0.5, 1), indices stay in range [300, 575] < 577
    pos = jax.random.uniform(k1, (N, 2), dtype=jnp.float32)
    positional_embeddings = jax.random.normal(k2, (1, NUM_POS, HIDDEN_SIZE), dtype=jnp.float32) * 0.02
    return {"pos": pos, "positional_embeddings": positional_embeddings}


def reference(pos, positional_embeddings):
    p = (pos + 1.0) / (2.0 + 1e-06)
    p = jnp.floor(p * WIDTH_POS)
    idx = (p[:, 0] * WIDTH_POS + p[:, 1]).astype(jnp.int32)
    out = jnp.take(positional_embeddings, idx, axis=1)  # [1, N, hidden]
    return out

if __name__ == "__main__":
    import jax
    _d = setup_inputs()
    print(jax.jit(kernel)(*tuple(_d.values())))

</pallas_src>

<mosaic_0001>
#map = affine_map<(d0, d1) -> (0)>
#map1 = affine_map<(d0, d1) -> (0, 0)>
module attributes {stable_mosaic.version = 14 : i64} {
  func.func @_sc_body(%arg0: i32, %arg1: i32, %arg2: memref<262144xf32, #tpu.memory_space<hbm>>, %arg3: memref<443136xf32, #tpu.memory_space<hbm>>, %arg4: memref<131072x768xf32, #tpu.memory_space<hbm>>, %arg5: memref<443136xf32, #tpu.memory_space<vmem_shared>>, %arg6: memref<8192xf32, #tpu.memory_space<vmem>>, %arg7: memref<4096xi32, #tpu.memory_space<vmem>>, %arg8: memref<16x768xf32, #tpu.memory_space<vmem>>, %arg9: memref<16x768xf32, #tpu.memory_space<vmem>>, %arg10: memref<!tpu.dma_semaphore, #tpu.memory_space<semaphore_mem>>, %arg11: memref<!tpu.dma_semaphore, #tpu.memory_space<semaphore_mem>>, %arg12: memref<!tpu.dma_semaphore, #tpu.memory_space<semaphore_mem>>, %arg13: memref<!tpu.dma_semaphore, #tpu.memory_space<semaphore_mem>>) attributes {dimension_semantics = [#tpu.dimension_semantics<core_parallel>, #tpu.dimension_semantics<subcore_parallel>], iteration_bounds = array<i64: 2, 16>, scalar_prefetch = 0 : i64, scratch_operands = 9 : i64, tpu.core_type = #tpu.core_type<sc_vector_subcore>, window_params = [{transform_indices = #map}, {transform_indices = #map}, {transform_indices = #map1}]} {
    %mul3A = arith.constant 2 : i32
    %mul3A_0 = arith.muli %arg1, %mul3A : i32
    %add3A = arith.addi %mul3A_0, %arg0 : i32
    %mul3A_1 = arith.constant 4096 : i32
    %mul3A_2 = arith.muli %add3A, %mul3A_1 : i32
    %eq3A = arith.constant 0 : i32
    %eq3A_3 = arith.cmpi eq, %arg1, %eq3A : i32
    %convert_element_type3A = arith.extui %eq3A_3 : i1 to i32
    %cond3A = arith.constant 0 : i32
    %cond3A_4 = arith.cmpi ne, %convert_element_type3A, %cond3A : i32
    scf.if %cond3A_4 {
      "tpu.region"() ({
        %run_scoped3A = tpu.sem_alloc : memref<!tpu.dma_semaphore, #tpu.memory_space<semaphore_mem>>
        tpu.enqueue_dma source(%arg3 : memref<443136xf32, #tpu.memory_space<hbm>>) target(%arg5 : memref<443136xf32, #tpu.memory_space<vmem_shared>>) target_semaphore(%run_scoped3A : memref<!tpu.dma_semaphore, #tpu.memory_space<semaphore_mem>>)
        tpu.wait_dma2 semaphore(%run_scoped3A : memref<!tpu.dma_semaphore, #tpu.memory_space<semaphore_mem>>) src(%arg3 : memref<443136xf32, #tpu.memory_space<hbm>>) dst(%arg5 : memref<443136xf32, #tpu.memory_space<vmem_shared>>)
        tpu.yield
      }) : () -> ()
    } else {
    }
    "tpu.region"() ({
      %run_scoped3A = tpu.sem_alloc : memref<!tpu.dma_semaphore, #tpu.memory_space<semaphore_mem>>
      %dma_start3A_238 = arith.constant 0 : i32
      %dma_start3A_239 = tpu.memref_slice %arg6[%dma_start3A_238] : memref<8192xf32, #tpu.memory_space<vmem>> -> memref<4096xf32, #tpu.memory_space<vmem>>
      %dma_start3A_240 = tpu.memref_slice %arg2[%mul3A_2] : memref<262144xf32, #tpu.memory_space<hbm>> -> memref<4096xf32, #tpu.memory_space<hbm>>
      %dma_start3A_241 = arith.constant 0 : i32
      %dma_start3A_242 = tpu.memref_slice %arg6[%dma_start3A_241] : memref<8192xf32, #tpu.memory_space<vmem>> -> memref<4096xf32, #tpu.memory_space<vmem>>
      %dma_start3A_243 = tpu.memref_slice %arg2[%mul3A_2] : memref<262144xf32, #tpu.memory_space<hbm>> -> memref<4096xf32, #tpu.memory_space<hbm>>
      tpu.enqueue_dma source(%dma_start3A_243 : memref<4096xf32, #tpu.memory_space<hbm>>) target(%dma_start3A_242 : memref<4096xf32, #tpu.memory_space<vmem>>) target_semaphore(%run_scoped3A : memref<!tpu.dma_semaphore, #tpu.memory_space<semaphore_mem>>)
      %dma_wait3A_244 = arith.constant 0 : i32
      %dma_wait3A_245 = tpu.memref_slice %arg6[%dma_wait3A_244] : memref<8192xf32, #tpu.memory_space<vmem>> -> memref<4096xf32, #tpu.memory_space<vmem>>
      %dma_wait3A_246 = tpu.memref_slice %arg2[%mul3A_2] : memref<262144xf32, #tpu.memory_space<hbm>> -> memref<4096xf32, #tpu.memory_space<hbm>>
      %dma_wait3A_247 = arith.constant 0 : i32
      %dma_wait3A_248 = tpu.memref_slice %arg6[%dma_wait3A_247] : memref<8192xf32, #tpu.memory_space<vmem>> -> memref<4096xf32, #tpu.memory_space<vmem>>
      %dma_wait3A_249 = tpu.memref_slice %arg2[%mul3A_2] : memref<262144xf32, #tpu.memory_space<hbm>> -> memref<4096xf32, #tpu.memory_space<hbm>>
      tpu.wait_dma2 semaphore(%run_scoped3A : memref<!tpu.dma_semaphore, #tpu.memory_space<semaphore_mem>>) src(%dma_wait3A_249 : memref<4096xf32, #tpu.memory_space<hbm>>) dst(%dma_wait3A_248 : memref<4096xf32, #tpu.memory_space<vmem>>)
      tpu.yield
    }) : () -> ()
    %add3A_5 = arith.constant 131072 : i32
    %add3A_6 = arith.addi %add3A_5, %mul3A_2 : i32
    "tpu.region"() ({
      %run_scoped3A = tpu.sem_alloc : memref<!tpu.dma_semaphore, #tpu.memory_space<semaphore_mem>>
      %dma_start3A_238 = arith.constant 4096 : i32
      %dma_start3A_239 = tpu.memref_slice %arg6[%dma_start3A_238] : memref<8192xf32, #tpu.memory_space<vmem>> -> memref<4096xf32, #tpu.memory_space<vmem>>
      %dma_start3A_240 = tpu.memref_slice %arg2[%add3A_6] : memref<262144xf32, #tpu.memory_space<hbm>> -> memref<4096xf32, #tpu.memory_space<hbm>>
      %dma_start3A_241 = arith.constant 4096 : i32
      %dma_start3A_242 = tpu.memref_slice %arg6[%dma_start3A_241] : memref<8192xf32, #tpu.memory_space<vmem>> -> memref<4096xf32, #tpu.memory_space<vmem>>
      %dma_start3A_243 = tpu.memref_slice %arg2[%add3A_6] : memref<262144xf32, #tpu.memory_space<hbm>> -> memref<4096xf32, #tpu.memory_space<hbm>>
      tpu.enqueue_dma source(%dma_start3A_243 : memref<4096xf32, #tpu.memory_space<hbm>>) target(%dma_start3A_242 : memref<4096xf32, #tpu.memory_space<vmem>>) target_semaphore(%run_scoped3A : memref<!tpu.dma_semaphore, #tpu.memory_space<semaphore_mem>>)
      %dma_wait3A_244 = arith.constant 4096 : i32
      %dma_wait3A_245 = tpu.memref_slice %arg6[%dma_wait3A_244] : memref<8192xf32, #tpu.memory_space<vmem>> -> memref<4096xf32, #tpu.memory_space<vmem>>
      %dma_wait3A_246 = tpu.memref_slice %arg2[%add3A_6] : memref<262144xf32, #tpu.memory_space<hbm>> -> memref<4096xf32, #tpu.memory_space<hbm>>
      %dma_wait3A_247 = arith.constant 4096 : i32
      %dma_wait3A_248 = tpu.memref_slice %arg6[%dma_wait3A_247] : memref<8192xf32, #tpu.memory_space<vmem>> -> memref<4096xf32, #tpu.memory_space<vmem>>
      %dma_wait3A_249 = tpu.memref_slice %arg2[%add3A_6] : memref<262144xf32, #tpu.memory_space<hbm>> -> memref<4096xf32, #tpu.memory_space<hbm>>
      tpu.wait_dma2 semaphore(%run_scoped3A : memref<!tpu.dma_semaphore, #tpu.memory_space<semaphore_mem>>) src(%dma_wait3A_249 : memref<4096xf32, #tpu.memory_space<hbm>>) dst(%dma_wait3A_248 : memref<4096xf32, #tpu.memory_space<vmem>>)
      tpu.yield
    }) : () -> ()
    %scan3A = arith.constant 0 : i32
    %scan3A_7 = arith.constant 2 : i32
    %scan3A_8 = arith.addi %scan3A, %scan3A_7 : i32
    %scan3A_9 = arith.constant 1 : i32
    scf.for %scan3A_238 = %scan3A to %scan3A_8 step %scan3A_9  : i32 {
      %mul3A_239 = arith.constant 1 : i32
      %mul3A_240 = arith.muli %scan3A_238, %mul3A_239 : i32
      %add3A_241 = arith.constant 0 : i32
      %add3A_242 = arith.addi %add3A_241, %mul3A_240 : i32
      %mul3A_243 = arith.constant 16 : i32
      %mul3A_244 = arith.muli %add3A_242, %mul3A_243 : i32
      %get3A_245 = arith.index_cast %mul3A_244 : i32 to index
      %get3A_246 = tpu.vector_load %arg6[%get3A_245] {strides = array<i32>} : memref<8192xf32, #tpu.memory_space<vmem>>, vector<16xf32>,
      %mul3A_247 = arith.constant 16 : i32
      %mul3A_248 = arith.muli %add3A_242, %mul3A_247 : i32
      %add3A_249 = arith.constant 4096 : i32
      %add3A_250 = arith.addi %add3A_249, %mul3A_248 : i32
      %get3A_251 = arith.index_cast %add3A_250 : i32 to index
      %get3A_252 = tpu.vector_load %arg6[%get3A_251] {strides = array<i32>} : memref<8192xf32, #tpu.memory_space<vmem>>, vector<16xf32>,
      %add3A_253 = arith.constant 1.000000e+00 : f32
      %add3A_254 = vector.broadcast %add3A_253 : f32 to vector<16xf32>
      %add3A_255 = arith.addf %get3A_246, %add3A_254 : vector<16xf32>
      %div3A = arith.constant 2.00000095 : f32
      %div3A_256 = vector.broadcast %div3A : f32 to vector<16xf32>
      %div3A_257 = arith.divf %add3A_255, %div3A_256 : vector<16xf32>
      %mul3A_258 = arith.constant 2.400000e+01 : f32
      %mul3A_259 = vector.broadcast %mul3A_258 : f32 to vector<16xf32>
      %mul3A_260 = arith.mulf %div3A_257, %mul3A_259 : vector<16xf32>
      %convert_element_type3A_261 = arith.fptosi %mul3A_260 : vector<16xf32> to vector<16xi32>
      %add3A_262 = arith.constant 1.000000e+00 : f32
      %add3A_263 = vector.broadcast %add3A_262 : f32 to vector<16xf32>
      %add3A_264 = arith.addf %get3A_252, %add3A_263 : vector<16xf32>
      %div3A_265 = arith.constant 2.00000095 : f32
      %div3A_266 = vector.broadcast %div3A_265 : f32 to vector<16xf32>
      %div3A_267 = arith.divf %add3A_264, %div3A_266 : vector<16xf32>
      %mul3A_268 = arith.constant 2.400000e+01 : f32
      %mul3A_269 = vector.broadcast %mul3A_268 : f32 to vector<16xf32>
      %mul3A_270 = arith.mulf %div3A_267, %mul3A_269 : vector<16xf32>
      %convert_element_type3A_271 = arith.fptosi %mul3A_270 : vector<16xf32> to vector<16xi32>
      %mul3A_272 = arith.constant 24 : i32
      %mul3A_273 = vector.broadcast %mul3A_272 : i32 to vector<16xi32>
      %mul3A_274 = arith.muli %convert_element_type3A_261, %mul3A_273 : vector<16xi32>
      %add3A_275 = arith.addi %mul3A_274, %convert_element_type3A_271 : vector<16xi32>
      %mul3A_276 = arith.constant 16 : i32
      %mul3A_277 = arith.muli %add3A_242, %mul3A_276 : i32
      %swap3A = arith.index_cast %mul3A_277 : i32 to index
      %swap3A_278 = tpu.vector_load %arg7[%swap3A] {strides = array<i32>} : memref<4096xi32, #tpu.memory_space<vmem>>, vector<16xi32>,
      tpu.vector_store %arg7[%swap3A], %add3A_275 {strides = array<i32>} : memref<4096xi32, #tpu.memory_space<vmem>>, vector<16xi32>,
    }
    %scan3A_10 = arith.constant 2 : i32
    %barrier3A = arith.constant 0 : index
    tpu.barrier barrier_id(%barrier3A)
    %get3A = arith.constant 0 : index
    %get3A_11 = tpu.vector_load %arg7[%get3A] {strides = array<i32>} : memref<4096xi32, #tpu.memory_space<vmem>>, vector<16xi32>,
    %slice3A = vector.extract_strided_slice %get3A_11 {offsets = [0], sizes = [1], strides = [1]} : vector<16xi32> to vector<1xi32>
    %squeeze3A = vector.extract %slice3A[0] : i32 from vector<1xi32>
    %mul3A_12 = arith.constant 768 : i32
    %mul3A_13 = arith.muli %squeeze3A, %mul3A_12 : i32
    %dma_start3A = arith.constant 0 : i32
    %dma_start3A_14 = arith.constant 0 : i32
    %dma_start3A_15 = tpu.memref_slice %arg8[%dma_start3A, %dma_start3A_14] : memref<16x768xf32, #tpu.memory_space<vmem>> -> memref<1x768xf32, #tpu.memory_space<vmem>>
    %dma_start3A_16 = tpu.memref_squeeze %dma_start3A_15 : memref<1x768xf32, #tpu.memory_space<vmem>> -> memref<768xf32, #tpu.memory_space<vmem>>
    %dma_start3A_17 = tpu.memref_slice %arg5[%mul3A_13] : memref<443136xf32, #tpu.memory_space<vmem_shared>> -> memref<768xf32, #tpu.memory_space<vmem_shared>>
    %dma_start3A_18 = arith.constant 0 : i32
    %dma_start3A_19 = tpu.memref_slice %arg8[%dma_start3A, %dma_start3A_18] : memref<16x768xf32, #tpu.memory_space<vmem>> -> memref<1x768xf32, #tpu.memory_space<vmem>>
    %dma_start3A_20 = tpu.memref_squeeze %dma_start3A_19 : memref<1x768xf32, #tpu.memory_space<vmem>> -> memref<768xf32, #tpu.memory_space<vmem>>
    %dma_start3A_21 = tpu.memref_slice %arg5[%mul3A_13] : memref<443136xf32, #tpu.memory_space<vmem_shared>> -> memref<768xf32, #tpu.memory_space<vmem_shared>>
    tpu.enqueue_dma source(%dma_start3A_21 : memref<768xf32, #tpu.memory_space<vmem_shared>>) target(%dma_start3A_20 : memref<768xf32, #tpu.memory_space<vmem>>) target_semaphore(%arg10 : memref<!tpu.dma_semaphore, #tpu.memory_space<semaphore_mem>>)
    %slice3A_22 = vector.extract_strided_slice %get3A_11 {offsets = [1], sizes = [1], strides = [1]} : vector<16xi32> to vector<1xi32>
    %squeeze3A_23 = vector.extract %slice3A_22[0] : i32 from vector<1xi32>
    %mul3A_24 = arith.constant 768 : i32
    %mul3A_25 = arith.muli %squeeze3A_23, %mul3A_24 : i32
    %dma_start3A_26 = arith.constant 1 : i32
    %dma_start3A_27 = arith.constant 0 : i32
    %dma_start3A_28 = tpu.memref_slice %arg8[%dma_start3A_26, %dma_start3A_27] : memref<16x768xf32, #tpu.memory_space<vmem>> -> memref<1x768xf32, #tpu.memory_space<vmem>>
    %dma_start3A_29 = tpu.memref_squeeze %dma_start3A_28 : memref<1x768xf32, #tpu.memory_space<vmem>> -> memref<768xf32, #tpu.memory_space<vmem>>
    %dma_start3A_30 = tpu.memref_slice %arg5[%mul3A_25] : memref<443136xf32, #tpu.memory_space<vmem_shared>> -> memref<768xf32, #tpu.memory_space<vmem_shared>>
    %dma_start3A_31 = arith.constant 0 : i32
    %dma_start3A_32 = tpu.memref_slice %arg8[%dma_start3A_26, %dma_start3A_31] : memref<16x768xf32, #tpu.memory_space<vmem>> -> memref<1x768xf32, #tpu.memory_space<vmem>>
    %dma_start3A_33 = tpu.memref_squeeze %dma_start3A_32 : memref<1x768xf32, #tpu.memory_space<vmem>> -> memref<768xf32, #tpu.memory_space<vmem>>
    %dma_start3A_34 = tpu.memref_slice %arg5[%mul3A_25] : memref<443136xf32, #tpu.memory_space<vmem_shared>> -> memref<768xf32, #tpu.memory_space<vmem_shared>>
    tpu.enqueue_dma source(%dma_start3A_34 : memref<768xf32, #tpu.memory_space<vmem_shared>>) target(%dma_start3A_33 : memref<768xf32, #tpu.memory_space<vmem>>) target_semaphore(%arg10 : memref<!tpu.dma_semaphore, #tpu.memory_space<semaphore_mem>>)
    %slice3A_35 = vector.extract_strided_slice %get3A_11 {offsets = [2], sizes = [1], strides = [1]} : vector<16xi32> to vector<1xi32>
    %squeeze3A_36 = vector.extract %slice3A_35[0] : i32 from vector<1xi32>
    %mul3A_37 = arith.constant 768 : i32
    %mul3A_38 = arith.muli %squeeze3A_36, %mul3A_37 : i32
    %dma_start3A_39 = arith.constant 2 : i32
    %dma_start3A_40 = arith.constant 0 : i32
    %dma_start3A_41 = tpu.memref_slice %arg8[%dma_start3A_39, %dma_start3A_40] : memref<16x768xf32, #tpu.memory_space<vmem>> -> memref<1x768xf32, #tpu.memory_space<vmem>>
    %dma_start3A_42 = tpu.memref_squeeze %dma_start3A_41 : memref<1x768xf32, #tpu.memory_space<vmem>> -> memref<768xf32, #tpu.memory_space<vmem>>
    %dma_start3A_43 = tpu.memref_slice %arg5[%mul3A_38] : memref<443136xf32, #tpu.memory_space<vmem_shared>> -> memref<768xf32, #tpu.memory_space<vmem_shared>>
    %dma_start3A_44 = arith.constant 0 : i32
    %dma_start3A_45 = tpu.memref_slice %arg8[%dma_start3A_39, %dma_start3A_44] : memref<16x768xf32, #tpu.memory_space<vmem>> -> memref<1x768xf32, #tpu.memory_space<vmem>>
    %dma_start3A_46 = tpu.memref_squeeze %dma_start3A_45 : memref<1x768xf32, #tpu.memory_space<vmem>> -> memref<768xf32, #tpu.memory_space<vmem>>
    %dma_start3A_47 = tpu.memref_slice %arg5[%mul3A_38] : memref<443136xf32, #tpu.memory_space<vmem_shared>> -> memref<768xf32, #tpu.memory_space<vmem_shared>>
    tpu.enqueue_dma source(%dma_start3A_47 : memref<768xf32, #tpu.memory_space<vmem_shared>>) target(%dma_start3A_46 : memref<768xf32, #tpu.memory_space<vmem>>) target_semaphore(%arg10 : memref<!tpu.dma_semaphore, #tpu.memory_space<semaphore_mem>>)
    %slice3A_48 = vector.extract_strided_slice %get3A_11 {offsets = [3], sizes = [1], strides = [1]} : vector<16xi32> to vector<1xi32>
    %squeeze3A_49 = vector.extract %slice3A_48[0] : i32 from vector<1xi32>
    %mul3A_50 = arith.constant 768 : i32
    %mul3A_51 = arith.muli %squeeze3A_49, %mul3A_50 : i32
    %dma_start3A_52 = arith.constant 3 : i32
    %dma_start3A_53 = arith.constant 0 : i32
    %dma_start3A_54 = tpu.memref_slice %arg8[%dma_start3A_52, %dma_start3A_53] : memref<16x768xf32, #tpu.memory_space<vmem>> -> memref<1x768xf32, #tpu.memory_space<vmem>>
    %dma_start3A_55 = tpu.memref_squeeze %dma_start3A_54 : memref<1x768xf32, #tpu.memory_space<vmem>> -> memref<768xf32, #tpu.memory_space<vmem>>
    %dma_start3A_56 = tpu.memref_slice %arg5[%mul3A_51] : memref<443136xf32, #tpu.memory_space<vmem_shared>> -> memref<768xf32, #tpu.memory_space<vmem_shared>>
    %dma_start3A_57 = arith.constant 0 : i32
    %dma_start3A_58 = tpu.memref_slice %arg8[%dma_start3A_52, %dma_start3A_57] : memref<16x768xf32, #tpu.memory_space<vmem>> -> memref<1x768xf32, #tpu.memory_space<vmem>>
    %dma_start3A_59 = tpu.memref_squeeze %dma_start3A_58 : memref<1x768xf32, #tpu.memory_space<vmem>> -> memref<768xf32, #tpu.memory_space<vmem>>
    %dma_start3A_60 = tpu.memref_slice %arg5[%mul3A_51] : memref<443136xf32, #tpu.memory_space<vmem_shared>> -> memref<768xf32, #tpu.memory_space<vmem_shared>>
    tpu.enqueue_dma source(%dma_start3A_60 : memref<768xf32, #tpu.memory_space<vmem_shared>>) target(%dma_start3A_59 : memref<768xf32, #tpu.memory_space<vmem>>) target_semaphore(%arg10 : memref<!tpu.dma_semaphore, #tpu.memory_space<semaphore_mem>>)
    %slice3A_61 = vector.extract_strided_slice %get3A_11 {offsets = [4], sizes = [1], strides = [1]} : vector<16xi32> to vector<1xi32>
    %squeeze3A_62 = vector.extract %slice3A_61[0] : i32 from vector<1xi32>
    %mul3A_63 = arith.constant 768 : i32
    %mul3A_64 = arith.muli %squeeze3A_62, %mul3A_63 : i32
    %dma_start3A_65 = arith.constant 4 : i32
    %dma_start3A_66 = arith.constant 0 : i32
    %dma_start3A_67 = tpu.memref_slice %arg8[%dma_start3A_65, %dma_start3A_66] : memref<16x768xf32, #tpu.memory_space<vmem>> -> memref<1x768xf32, #tpu.memory_space<vmem>>
    %dma_start3A_68 = tpu.memref_squeeze %dma_start3A_67 : memref<1x768xf32, #tpu.memory_space<vmem>> -> memref<768xf32, #tpu.memory_space<vmem>>
    %dma_start3A_69 = tpu.memref_slice %arg5[%mul3A_64] : memref<443136xf32, #tpu.memory_space<vmem_shared>> -> memref<768xf32, #tpu.memory_space<vmem_shared>>
    %dma_start3A_70 = arith.constant 0 : i32
    %dma_start3A_71 = tpu.memref_slice %arg8[%dma_start3A_65, %dma_start3A_70] : memref<16x768xf32, #tpu.memory_space<vmem>> -> memref<1x768xf32, #tpu.memory_space<vmem>>
    %dma_start3A_72 = tpu.memref_squeeze %dma_start3A_71 : memref<1x768xf32, #tpu.memory_space<vmem>> -> memref<768xf32, #tpu.memory_space<vmem>>
    %dma_start3A_73 = tpu.memref_slice %arg5[%mul3A_64] : memref<443136xf32, #tpu.memory_space<vmem_shared>> -> memref<768xf32, #tpu.memory_space<vmem_shared>>
    tpu.enqueue_dma source(%dma_start3A_73 : memref<768xf32, #tpu.memory_space<vmem_shared>>) target(%dma_start3A_72 : memref<768xf32, #tpu.memory_space<vmem>>) target_semaphore(%arg10 : memref<!tpu.dma_semaphore, #tpu.memory_space<semaphore_mem>>)
    %slice3A_74 = vector.extract_strided_slice %get3A_11 {offsets = [5], sizes = [1], strides = [1]} : vector<16xi32> to vector<1xi32>
    %squeeze3A_75 = vector.extract %slice3A_74[0] : i32 from vector<1xi32>
    %mul3A_76 = arith.constant 768 : i32
    %mul3A_77 = arith.muli %squeeze3A_75, %mul3A_76 : i32
    %dma_start3A_78 = arith.constant 5 : i32
    %dma_start3A_79 = arith.constant 0 : i32
    %dma_start3A_80 = tpu.memref_slice %arg8[%dma_start3A_78, %dma_start3A_79] : memref<16x768xf32, #tpu.memory_space<vmem>> -> memref<1x768xf32, #tpu.memory_space<vmem>>
    %dma_start3A_81 = tpu.memref_squeeze %dma_start3A_80 : memref<1x768xf32, #tpu.memory_space<vmem>> -> memref<768xf32, #tpu.memory_space<vmem>>
    %dma_start3A_82 = tpu.memref_slice %arg5[%mul3A_77] : memref<443136xf32, #tpu.memory_space<vmem_shared>> -> memref<768xf32, #tpu.memory_space<vmem_shared>>
    %dma_start3A_83 = arith.constant 0 : i32
    %dma_start3A_84 = tpu.memref_slice %arg8[%dma_start3A_78, %dma_start3A_83] : memref<16x768xf32, #tpu.memory_space<vmem>> -> memref<1x768xf32, #tpu.memory_space<vmem>>
    %dma_start3A_85 = tpu.memref_squeeze %dma_start3A_84 : memref<1x768xf32, #tpu.memory_space<vmem>> -> memref<768xf32, #tpu.memory_space<vmem>>
    %dma_start3A_86 = tpu.memref_slice %arg5[%mul3A_77] : memref<443136xf32, #tpu.memory_space<vmem_shared>> -> memref<768xf32, #tpu.memory_space<vmem_shared>>
    tpu.enqueue_dma source(%dma_start3A_86 : memref<768xf32, #tpu.memory_space<vmem_shared>>) target(%dma_start3A_85 : memref<768xf32, #tpu.memory_space<vmem>>) target_semaphore(%arg10 : memref<!tpu.dma_semaphore, #tpu.memory_space<semaphore_mem>>)
    %slice3A_87 = vector.extract_strided_slice %get3A_11 {offsets = [6], sizes = [1], strides = [1]} : vector<16xi32> to vector<1xi32>
    %squeeze3A_88 = vector.extract %slice3A_87[0] : i32 from vector<1xi32>
    %mul3A_89 = arith.constant 768 : i32
    %mul3A_90 = arith.muli %squeeze3A_88, %mul3A_89 : i32
    %dma_start3A_91 = arith.constant 6 : i32
    %dma_start3A_92 = arith.constant 0 : i32
    %dma_start3A_93 = tpu.memref_slice %arg8[%dma_start3A_91, %dma_start3A_92] : memref<16x768xf32, #tpu.memory_space<vmem>> -> memref<1x768xf32, #tpu.memory_space<vmem>>
    %dma_start3A_94 = tpu.memref_squeeze %dma_start3A_93 : memref<1x768xf32, #tpu.memory_space<vmem>> -> memref<768xf32, #tpu.memory_space<vmem>>
    %dma_start3A_95 = tpu.memref_slice %arg5[%mul3A_90] : memref<443136xf32, #tpu.memory_space<vmem_shared>> -> memref<768xf32, #tpu.memory_space<vmem_shared>>
    %dma_start3A_96 = arith.constant 0 : i32
    %dma_start3A_97 = tpu.memref_slice %arg8[%dma_start3A_91, %dma_start3A_96] : memref<16x768xf32, #tpu.memory_space<vmem>> -> memref<1x768xf32, #tpu.memory_space<vmem>>
    %dma_start3A_98 = tpu.memref_squeeze %dma_start3A_97 : memref<1x768xf32, #tpu.memory_space<vmem>> -> memref<768xf32, #tpu.memory_space<vmem>>
    %dma_start3A_99 = tpu.memref_slice %arg5[%mul3A_90] : memref<443136xf32, #tpu.memory_space<vmem_shared>> -> memref<768xf32, #tpu.memory_space<vmem_shared>>
    tpu.enqueue_dma source(%dma_start3A_99 : memref<768xf32, #tpu.memory_space<vmem_shared>>) target(%dma_start3A_98 : memref<768xf32, #tpu.memory_space<vmem>>) target_semaphore(%arg10 : memref<!tpu.dma_semaphore, #tpu.memory_space<semaphore_mem>>)
    %slice3A_100 = vector.extract_strided_slice %get3A_11 {offsets = [7], sizes = [1], strides = [1]} : vector<16xi32> to vector<1xi32>
    %squeeze3A_101 = vector.extract %slice3A_100[0] : i32 from vector<1xi32>
    %mul3A_102 = arith.constant 768 : i32
    %mul3A_103 = arith.muli %squeeze3A_101, %mul3A_102 : i32
    %dma_start3A_104 = arith.constant 7 : i32
    %dma_start3A_105 = arith.constant 0 : i32
    %dma_start3A_106 = tpu.memref_slice %arg8[%dma_start3A_104, %dma_start3A_105] : memref<16x768xf32, #tpu.memory_space<vmem>> -> memref<1x768xf32, #tpu.memory_space<vmem>>
    %dma_start3A_107 = tpu.memref_squeeze %dma_start3A_106 : memref<1x768xf32, #tpu.memory_space<vmem>> -> memref<768xf32, #tpu.memory_space<vmem>>
    %dma_start3A_108 = tpu.memref_slice %arg5[%mul3A_103] : memref<443136xf32, #tpu.memory_space<vmem_shared>> -> memref<768xf32, #tpu.memory_space<vmem_shared>>
    %dma_start3A_109 = arith.constant 0 : i32
    %dma_start3A_110 = tpu.memref_slice %arg8[%dma_start3A_104, %dma_start3A_109] : memref<16x768xf32, #tpu.memory_space<vmem>> -> memref<1x768xf32, #tpu.memory_space<vmem>>
    %dma_start3A_111 = tpu.memref_squeeze %dma_start3A_110 : memref<1x768xf32, #tpu.memory_space<vmem>> -> memref<768xf32, #tpu.memory_space<vmem>>
    %dma_start3A_112 = tpu.memref_slice %arg5[%mul3A_103] : memref<443136xf32, #tpu.memory_space<vmem_shared>> -> memref<768xf32, #tpu.memory_space<vmem_shared>>
    tpu.enqueue_dma source(%dma_start3A_112 : memref<768xf32, #tpu.memory_space<vmem_shared>>) target(%dma_start3A_111 : memref<768xf32, #tpu.memory_space<vmem>>) target_semaphore(%arg10 : memref<!tpu.dma_semaphore, #tpu.memory_space<semaphore_mem>>)
    %slice3A_113 = vector.extract_strided_slice %get3A_11 {offsets = [8], sizes = [1], strides = [1]} : vector<16xi32> to vector<1xi32>
    %squeeze3A_114 = vector.extract %slice3A_113[0] : i32 from vector<1xi32>
    %mul3A_115 = arith.constant 768 : i32
    %mul3A_116 = arith.muli %squeeze3A_114, %mul3A_115 : i32
    %dma_start3A_117 = arith.constant 8 : i32
    %dma_start3A_118 = arith.constant 0 : i32
    %dma_start3A_119 = tpu.memref_slice %arg8[%dma_start3A_117, %dma_start3A_118] : memref<16x768xf32, #tpu.memory_space<vmem>> -> memref<1x768xf32, #tpu.memory_space<vmem>>
    %dma_start3A_120 = tpu.memref_squeeze %dma_start3A_119 : memref<1x768xf32, #tpu.memory_space<vmem>> -> memref<768xf32, #tpu.memory_space<vmem>>
    %dma_start3A_121 = tpu.memref_slice %arg5[%mul3A_116] : memref<443136xf32, #tpu.memory_space<vmem_shared>> -> memref<768xf32, #tpu.memory_space<vmem_shared>>
    %dma_start3A_122 = arith.constant 0 : i32
    %dma_start3A_123 = tpu.memref_slice %arg8[%dma_start3A_117, %dma_start3A_122] : memref<16x768xf32, #tpu.memory_space<vmem>> -> memref<1x768xf32, #tpu.memory_space<vmem>>
    %dma_start3A_124 = tpu.memref_squeeze %dma_start3A_123 : memref<1x768xf32, #tpu.memory_space<vmem>> -> memref<768xf32, #tpu.memory_space<vmem>>
    %dma_start3A_125 = tpu.memref_slice %arg5[%mul3A_116] : memref<443136xf32, #tpu.memory_space<vmem_shared>> -> memref<768xf32, #tpu.memory_space<vmem_shared>>
    tpu.enqueue_dma source(%dma_start3A_125 : memref<768xf32, #tpu.memory_space<vmem_shared>>) target(%dma_start3A_124 : memref<768xf32, #tpu.memory_space<vmem>>) target_semaphore(%arg10 : memref<!tpu.dma_semaphore, #tpu.memory_space<semaphore_mem>>)
    %slice3A_126 = vector.extract_strided_slice %get3A_11 {offsets = [9], sizes = [1], strides = [1]} : vector<16xi32> to vector<1xi32>
    %squeeze3A_127 = vector.extract %slice3A_126[0] : i32 from vector<1xi32>
    %mul3A_128 = arith.constant 768 : i32
    %mul3A_129 = arith.muli %squeeze3A_127, %mul3A_128 : i32
    %dma_start3A_130 = arith.constant 9 : i32
    %dma_start3A_131 = arith.constant 0 : i32
    %dma_start3A_132 = tpu.memref_slice %arg8[%dma_start3A_130, %dma_start3A_131] : memref<16x768xf32, #tpu.memory_space<vmem>> -> memref<1x768xf32, #tpu.memory_space<vmem>>
    %dma_start3A_133 = tpu.memref_squeeze %dma_start3A_132 : memref<1x768xf32, #tpu.memory_space<vmem>> -> memref<768xf32, #tpu.memory_space<vmem>>
    %dma_start3A_134 = tpu.memref_slice %arg5[%mul3A_129] : memref<443136xf32, #tpu.memory_space<vmem_shared>> -> memref<768xf32, #tpu.memory_space<vmem_shared>>
    %dma_start3A_135 = arith.constant 0 : i32
    %dma_start3A_136 = tpu.memref_slice %arg8[%dma_start3A_130, %dma_start3A_135] : memref<16x768xf32, #tpu.memory_space<vmem>> -> memref<1x768xf32, #tpu.memory_space<vmem>>
    %dma_start3A_137 = tpu.memref_squeeze %dma_start3A_136 : memref<1x768xf32, #tpu.memory_space<vmem>> -> memref<768xf32, #tpu.memory_space<vmem>>
    %dma_start3A_138 = tpu.memref_slice %arg5[%mul3A_129] : memref<443136xf32, #tpu.memory_space<vmem_shared>> -> memref<768xf32, #tpu.memory_space<vmem_shared>>
    tpu.enqueue_dma source(%dma_start3A_138 : memref<768xf32, #tpu.memory_space<vmem_shared>>) target(%dma_start3A_137 : memref<768xf32, #tpu.memory_space<vmem>>) target_semaphore(%arg10 : memref<!tpu.dma_semaphore, #tpu.memory_space<semaphore_mem>>)
    %slice3A_139 = vector.extract_strided_slice %get3A_11 {offsets = [10], sizes = [1], strides = [1]} : vector<16xi32> to vector<1xi32>
    %squeeze3A_140 = vector.extract %slice3A_139[0] : i32 from vector<1xi32>
    %mul3A_141 = arith.constant 768 : i32
    %mul3A_142 = arith.muli %squeeze3A_140, %mul3A_141 : i32
    %dma_start3A_143 = arith.constant 10 : i32
    %dma_start3A_144 = arith.constant 0 : i32
    %dma_start3A_145 = tpu.memref_slice %arg8[%dma_start3A_143, %dma_start3A_144] : memref<16x768xf32, #tpu.memory_space<vmem>> -> memref<1x768xf32, #tpu.memory_space<vmem>>
    %dma_start3A_146 = tpu.memref_squeeze %dma_start3A_145 : memref<1x768xf32, #tpu.memory_space<vmem>> -> memref<768xf32, #tpu.memory_space<vmem>>
    %dma_start3A_147 = tpu.memref_slice %arg5[%mul3A_142] : memref<443136xf32, #tpu.memory_space<vmem_shared>> -> memref<768xf32, #tpu.memory_space<vmem_shared>>
    %dma_start3A_148 = arith.constant 0 : i32
    %dma_start3A_149 = tpu.memref_slice %arg8[%dma_start3A_143, %dma_start3A_148] : memref<16x768xf32, #tpu.memory_space<vmem>> -> memref<1x768xf32, #tpu.memory_space<vmem>>
    %dma_start3A_150 = tpu.memref_squeeze %dma_start3A_149 : memref<1x768xf32, #tpu.memory_space<vmem>> -> memref<768xf32, #tpu.memory_space<vmem>>
    %dma_start3A_151 = tpu.memref_slice %arg5[%mul3A_142] : memref<443136xf32, #tpu.memory_space<vmem_shared>> -> memref<768xf32, #tpu.memory_space<vmem_shared>>
    tpu.enqueue_dma source(%dma_start3A_151 : memref<768xf32, #tpu.memory_space<vmem_shared>>) target(%dma_start3A_150 : memref<768xf32, #tpu.memory_space<vmem>>) target_semaphore(%arg10 : memref<!tpu.dma_semaphore, #tpu.memory_space<semaphore_mem>>)
    %slice3A_152 = vector.extract_strided_slice %get3A_11 {offsets = [11], sizes = [1], strides = [1]} : vector<16xi32> to vector<1xi32>
    %squeeze3A_153 = vector.extract %slice3A_152[0] : i32 from vector<1xi32>
    %mul3A_154 = arith.constant 768 : i32
    %mul3A_155 = arith.muli %squeeze3A_153, %mul3A_154 : i32
    %dma_start3A_156 = arith.constant 11 : i32
    %dma_start3A_157 = arith.constant 0 : i32
    %dma_start3A_158 = tpu.memref_slice %arg8[%dma_start3A_156, %dma_start3A_157] : memref<16x768xf32, #tpu.memory_space<vmem>> -> memref<1x768xf32, #tpu.memory_space<vmem>>
    %dma_start3A_159 = tpu.memref_squeeze %dma_start3A_158 : memref<1x768xf32, #tpu.memory_space<vmem>> -> memref<768xf32, #tpu.memory_space<vmem>>
    %dma_start3A_160 = tpu.memref_slice %arg5[%mul3A_155] : memref<443136xf32, #tpu.memory_space<vmem_shared>> -> memref<768xf32, #tpu.memory_space<vmem_shared>>
    %dma_start3A_161 = arith.constant 0 : i32
    %dma_start3A_162 = tpu.memref_slice %arg8[%dma_start3A_156, %dma_start3A_161] : memref<16x768xf32, #tpu.memory_space<vmem>> -> memref<1x768xf32, #tpu.memory_space<vmem>>
    %dma_start3A_163 = tpu.memref_squeeze %dma_start3A_162 : memref<1x768xf32, #tpu.memory_space<vmem>> -> memref<768xf32, #tpu.memory_space<vmem>>
    %dma_start3A_164 = tpu.memref_slice %arg5[%mul3A_155] : memref<443136xf32, #tpu.memory_space<vmem_shared>> -> memref<768xf32, #tpu.memory_space<vmem_shared>>
    tpu.enqueue_dma source(%dma_start3A_164 : memref<768xf32, #tpu.memory_space<vmem_shared>>) target(%dma_start3A_163 : memref<768xf32, #tpu.memory_space<vmem>>) target_semaphore(%arg10 : memref<!tpu.dma_semaphore, #tpu.memory_space<semaphore_mem>>)
    %slice3A_165 = vector.extract_strided_slice %get3A_11 {offsets = [12], sizes = [1], strides = [1]} : vector<16xi32> to vector<1xi32>
    %squeeze3A_166 = vector.extract %slice3A_165[0] : i32 from vector<1xi32>
    %mul3A_167 = arith.constant 768 : i32
    %mul3A_168 = arith.muli %squeeze3A_166, %mul3A_167 : i32
    %dma_start3A_169 = arith.constant 12 : i32
    %dma_start3A_170 = arith.constant 0 : i32
    %dma_start3A_171 = tpu.memref_slice %arg8[%dma_start3A_169, %dma_start3A_170] : memref<16x768xf32, #tpu.memory_space<vmem>> -> memref<1x768xf32, #tpu.memory_space<vmem>>
    %dma_start3A_172 = tpu.memref_squeeze %dma_start3A_171 : memref<1x768xf32, #tpu.memory_space<vmem>> -> memref<768xf32, #tpu.memory_space<vmem>>
    %dma_start3A_173 = tpu.memref_slice %arg5[%mul3A_168] : memref<443136xf32, #tpu.memory_space<vmem_shared>> -> memref<768xf32, #tpu.memory_space<vmem_shared>>
    %dma_start3A_174 = arith.constant 0 : i32
    %dma_start3A_175 = tpu.memref_slice %arg8[%dma_start3A_169, %dma_start3A_174] : memref<16x768xf32, #tpu.memory_space<vmem>> -> memref<1x768xf32, #tpu.memory_space<vmem>>
    %dma_start3A_176 = tpu.memref_squeeze %dma_start3A_175 : memref<1x768xf32, #tpu.memory_space<vmem>> -> memref<768xf32, #tpu.memory_space<vmem>>
    %dma_start3A_177 = tpu.memref_slice %arg5[%mul3A_168] : memref<443136xf32, #tpu.memory_space<vmem_shared>> -> memref<768xf32, #tpu.memory_space<vmem_shared>>
    tpu.enqueue_dma source(%dma_start3A_177 : memref<768xf32, #tpu.memory_space<vmem_shared>>) target(%dma_start3A_176 : memref<768xf32, #tpu.memory_space<vmem>>) target_semaphore(%arg10 : memref<!tpu.dma_semaphore, #tpu.memory_space<semaphore_mem>>)
    %slice3A_178 = vector.extract_strided_slice %get3A_11 {offsets = [13], sizes = [1], strides = [1]} : vector<16xi32> to vector<1xi32>
    %squeeze3A_179 = vector.extract %slice3A_178[0] : i32 from vector<1xi32>
    %mul3A_180 = arith.constant 768 : i32
    %mul3A_181 = arith.muli %squeeze3A_179, %mul3A_180 : i32
    %dma_start3A_182 = arith.constant 13 : i32
    %dma_start3A_183 = arith.constant 0 : i32
    %dma_start3A_184 = tpu.memref_slice %arg8[%dma_start3A_182, %dma_start3A_183] : memref<16x768xf32, #tpu.memory_space<vmem>> -> memref<1x768xf32, #tpu.memory_space<vmem>>
    %dma_start3A_185 = tpu.memref_squeeze %dma_start3A_184 : memref<1x768xf32, #tpu.memory_space<vmem>> -> memref<768xf32, #tpu.memory_space<vmem>>
    %dma_start3A_186 = tpu.memref_slice %arg5[%mul3A_181] : memref<443136xf32, #tpu.memory_space<vmem_shared>> -> memref<768xf32, #tpu.memory_space<vmem_shared>>
    %dma_start3A_187 = arith.constant 0 : i32
    %dma_start3A_188 = tpu.memref_slice %arg8[%dma_start3A_182, %dma_start3A_187] : memref<16x768xf32, #tpu.memory_space<vmem>> -> memref<1x768xf32, #tpu.memory_space<vmem>>
    %dma_start3A_189 = tpu.memref_squeeze %dma_start3A_188 : memref<1x768xf32, #tpu.memory_space<vmem>> -> memref<768xf32, #tpu.memory_space<vmem>>
    %dma_start3A_190 = tpu.memref_slice %arg5[%mul3A_181] : memref<443136xf32, #tpu.memory_space<vmem_shared>> -> memref<768xf32, #tpu.memory_space<vmem_shared>>
    tpu.enqueue_dma source(%dma_start3A_190 : memref<768xf32, #tpu.memory_space<vmem_shared>>) target(%dma_start3A_189 : memref<768xf32, #tpu.memory_space<vmem>>) target_semaphore(%arg10 : memref<!tpu.dma_semaphore, #tpu.memory_space<semaphore_mem>>)
    %slice3A_191 = vector.extract_strided_slice %get3A_11 {offsets = [14], sizes = [1], strides = [1]} : vector<16xi32> to vector<1xi32>
    %squeeze3A_192 = vector.extract %slice3A_191[0] : i32 from vector<1xi32>
    %mul3A_193 = arith.constant 768 : i32
    %mul3A_194 = arith.muli %squeeze3A_192, %mul3A_193 : i32
    %dma_start3A_195 = arith.constant 14 : i32
    %dma_start3A_196 = arith.constant 0 : i32
    %dma_start3A_197 = tpu.memref_slice %arg8[%dma_start3A_195, %dma_start3A_196] : memref<16x768xf32, #tpu.memory_space<vmem>> -> memref<1x768xf32, #tpu.memory_space<vmem>>
    %dma_start3A_198 = tpu.memref_squeeze %dma_start3A_197 : memref<1x768xf32, #tpu.memory_space<vmem>> -> memref<768xf32, #tpu.memory_space<vmem>>
    %dma_start3A_199 = tpu.memref_slice %arg5[%mul3A_194] : memref<443136xf32, #tpu.memory_space<vmem_shared>> -> memref<768xf32, #tpu.memory_space<vmem_shared>>
    %dma_start3A_200 = arith.constant 0 : i32
    %dma_start3A_201 = tpu.memref_slice %arg8[%dma_start3A_195, %dma_start3A_200] : memref<16x768xf32, #tpu.memory_space<vmem>> -> memref<1x768xf32, #tpu.memory_space<vmem>>
    %dma_start3A_202 = tpu.memref_squeeze %dma_start3A_201 : memref<1x768xf32, #tpu.memory_space<vmem>> -> memref<768xf32, #tpu.memory_space<vmem>>
    %dma_start3A_203 = tpu.memref_slice %arg5[%mul3A_194] : memref<443136xf32, #tpu.memory_space<vmem_shared>> -> memref<768xf32, #tpu.memory_space<vmem_shared>>
    tpu.enqueue_dma source(%dma_start3A_203 : memref<768xf32, #tpu.memory_space<vmem_shared>>) target(%dma_start3A_202 : memref<768xf32, #tpu.memory_space<vmem>>) target_semaphore(%arg10 : memref<!tpu.dma_semaphore, #tpu.memory_space<semaphore_mem>>)
    %slice3A_204 = vector.extract_strided_slice %get3A_11 {offsets = [15], sizes = [1], strides = [1]} : vector<16xi32> to vector<1xi32>
    %squeeze3A_205 = vector.extract %slice3A_204[0] : i32 from vector<1xi32>
    %mul3A_206 = arith.constant 768 : i32
    %mul3A_207 = arith.muli %squeeze3A_205, %mul3A_206 : i32
    %dma_start3A_208 = arith.constant 15 : i32
    %dma_start3A_209 = arith.constant 0 : i32
    %dma_start3A_210 = tpu.memref_slice %arg8[%dma_start3A_208, %dma_start3A_209] : memref<16x768xf32, #tpu.memory_space<vmem>> -> memref<1x768xf32, #tpu.memory_space<vmem>>
    %dma_start3A_211 = tpu.memref_squeeze %dma_start3A_210 : memref<1x768xf32, #tpu.memory_space<vmem>> -> memref<768xf32, #tpu.memory_space<vmem>>
    %dma_start3A_212 = tpu.memref_slice %arg5[%mul3A_207] : memref<443136xf32, #tpu.memory_space<vmem_shared>> -> memref<768xf32, #tpu.memory_space<vmem_shared>>
    %dma_start3A_213 = arith.constant 0 : i32
    %dma_start3A_214 = tpu.memref_slice %arg8[%dma_start3A_208, %dma_start3A_213] : memref<16x768xf32, #tpu.memory_space<vmem>> -> memref<1x768xf32, #tpu.memory_space<vmem>>
    %dma_start3A_215 = tpu.memref_squeeze %dma_start3A_214 : memref<1x768xf32, #tpu.memory_space<vmem>> -> memref<768xf32, #tpu.memory_space<vmem>>
    %dma_start3A_216 = tpu.memref_slice %arg5[%mul3A_207] : memref<443136xf32, #tpu.memory_space<vmem_shared>> -> memref<768xf32, #tpu.memory_space<vmem_shared>>
    tpu.enqueue_dma source(%dma_start3A_216 : memref<768xf32, #tpu.memory_space<vmem_shared>>) target(%dma_start3A_215 : memref<768xf32, #tpu.memory_space<vmem>>) target_semaphore(%arg10 : memref<!tpu.dma_semaphore, #tpu.memory_space<semaphore_mem>>)
    %scan3A_217 = arith.constant 0 : i32
    %scan3A_218 = arith.constant 254 : i32
    %scan3A_219 = arith.addi %scan3A_217, %scan3A_218 : i32
    %scan3A_220 = arith.constant 1 : i32
    scf.for %scan3A_238 = %scan3A_217 to %scan3A_219 step %scan3A_220  : i32 {
      %mul3A_239 = arith.constant 1 : i32
      %mul3A_240 = arith.muli %scan3A_238, %mul3A_239 : i32
      %add3A_241 = arith.constant 2 : i32
      %add3A_242 = arith.addi %add3A_241, %mul3A_240 : i32
      %mul3A_243 = arith.constant 16 : i32
      %mul3A_244 = arith.muli %add3A_242, %mul3A_243 : i32
      %get3A_245 = arith.index_cast %mul3A_244 : i32 to index
      %get3A_246 = tpu.vector_load %arg6[%get3A_245] {strides = array<i32>} : memref<8192xf32, #tpu.memory_space<vmem>>, vector<16xf32>,
      %mul3A_247 = arith.constant 16 : i32
      %mul3A_248 = arith.muli %add3A_242, %mul3A_247 : i32
      %add3A_249 = arith.constant 4096 : i32
      %add3A_250 = arith.addi %add3A_249, %mul3A_248 : i32
      %get3A_251 = arith.index_cast %add3A_250 : i32 to index
      %get3A_252 = tpu.vector_load %arg6[%get3A_251] {strides = array<i32>} : memref<8192xf32, #tpu.memory_space<vmem>>, vector<16xf32>,
      %add3A_253 = arith.constant 1.000000e+00 : f32
      %add3A_254 = vector.broadcast %add3A_253 : f32 to vector<16xf32>
      %add3A_255 = arith.addf %get3A_246, %add3A_254 : vector<16xf32>
      %div3A = arith.constant 2.00000095 : f32
      %div3A_256 = vector.broadcast %div3A : f32 to vector<16xf32>
      %div3A_257 = arith.divf %add3A_255, %div3A_256 : vector<16xf32>
      %mul3A_258 = arith.constant 2.400000e+01 : f32
      %mul3A_259 = vector.broadcast %mul3A_258 : f32 to vector<16xf32>
      %mul3A_260 = arith.mulf %div3A_257, %mul3A_259 : vector<16xf32>
      %convert_element_type3A_261 = arith.fptosi %mul3A_260 : vector<16xf32> to vector<16xi32>
      %add3A_262 = arith.constant 1.000000e+00 : f32
      %add3A_263 = vector.broadcast %add3A_262 : f32 to vector<16xf32>
      %add3A_264 = arith.addf %get3A_252, %add3A_263 : vector<16xf32>
      %div3A_265 = arith.constant 2.00000095 : f32
      %div3A_266 = vector.broadcast %div3A_265 : f32 to vector<16xf32>
      %div3A_267 = arith.divf %add3A_264, %div3A_266 : vector<16xf32>
      %mul3A_268 = arith.constant 2.400000e+01 : f32
      %mul3A_269 = vector.broadcast %mul3A_268 : f32 to vector<16xf32>
      %mul3A_270 = arith.mulf %div3A_267, %mul3A_269 : vector<16xf32>
      %convert_element_type3A_271 = arith.fptosi %mul3A_270 : vector<16xf32> to vector<16xi32>
      %mul3A_272 = arith.constant 24 : i32
      %mul3A_273 = vector.broadcast %mul3A_272 : i32 to vector<16xi32>
      %mul3A_274 = arith.muli %convert_element_type3A_261, %mul3A_273 : vector<16xi32>
      %add3A_275 = arith.addi %mul3A_274, %convert_element_type3A_271 : vector<16xi32>
      %mul3A_276 = arith.constant 16 : i32
      %mul3A_277 = arith.muli %add3A_242, %mul3A_276 : i32
      %swap3A = arith.index_cast %mul3A_277 : i32 to index
      %swap3A_278 = tpu.vector_load %arg7[%swap3A] {strides = array<i32>} : memref<4096xi32, #tpu.memory_space<vmem>>, vector<16xi32>,
      tpu.vector_store %arg7[%swap3A], %add3A_275 {strides = array<i32>} : memref<4096xi32, #tpu.memory_space<vmem>>, vector<16xi32>,
    }
    %scan3A_221 = arith.constant 254 : i32
    %scan3A_222 = arith.constant 0 : i32
    %scan3A_223 = arith.constant 128 : i32
    %scan3A_224 = arith.addi %scan3A_222, %scan3A_223 : i32
    %scan3A_225 = arith.constant 1 : i32
    scf.for %scan3A_238 = %scan3A_222 to %scan3A_224 step %scan3A_225  : i32 {
      %mul3A_239 = arith.constant 2 : i32
      %mul3A_240 = arith.muli %scan3A_238, %mul3A_239 : i32
      %add3A_241 = arith.constant 0 : i32
      %add3A_242 = arith.addi %add3A_241, %mul3A_240 : i32
      %add3A_243 = arith.constant 0 : i32
      %add3A_244 = arith.addi %add3A_242, %add3A_243 : i32
      %add3A_245 = arith.constant 1 : i32
      %add3A_246 = arith.addi %add3A_244, %add3A_245 : i32
      %lt3A = arith.constant 256 : i32
      %lt3A_247 = arith.cmpi slt, %add3A_246, %lt3A : i32
      %convert_element_type3A_248 = arith.extui %lt3A_247 : i1 to i32
      %cond3A_249 = arith.constant 0 : i32
      %cond3A_250 = arith.cmpi ne, %convert_element_type3A_248, %cond3A_249 : i32
      scf.if %cond3A_250 {
        %ge3A = arith.constant 2 : i32
        %ge3A_282 = arith.cmpi sge, %add3A_246, %ge3A : i32
        %convert_element_type3A_283 = arith.extui %ge3A_282 : i1 to i32
        %cond3A_284 = arith.constant 0 : i32
        %cond3A_285 = arith.cmpi ne, %convert_element_type3A_283, %cond3A_284 : i32
        scf.if %cond3A_285 {
          %sub3A = arith.constant 2 : i32
          %sub3A_500 = arith.subi %add3A_246, %sub3A : i32
          %mul3A_501 = arith.constant 16 : i32
          %mul3A_502 = arith.muli %sub3A_500, %mul3A_501 : i32
          %add3A_503 = arith.addi %mul3A_2, %mul3A_502 : i32
          %dma_wait3A_504 = arith.constant 0 : i32
          %dma_wait3A_505 = tpu.memref_slice %arg4[%add3A_503, %dma_wait3A_504] : memref<131072x768xf32, #tpu.memory_space<hbm>> -> memref<16x768xf32, #tpu.memory_space<hbm>>
          %dma_wait3A_506 = arith.constant 0 : i32
          %dma_wait3A_507 = tpu.memref_slice %arg4[%add3A_503, %dma_wait3A_506] : memref<131072x768xf32, #tpu.memory_space<hbm>> -> memref<16x768xf32, #tpu.memory_space<hbm>>
          tpu.wait_dma2 semaphore(%arg13 : memref<!tpu.dma_semaphore, #tpu.memory_space<semaphore_mem>>) src(%arg9 : memref<16x768xf32, #tpu.memory_space<vmem>>) dst(%dma_wait3A_507 : memref<16x768xf32, #tpu.memory_space<hbm>>)
        } else {
        }
        %mul3A_286 = arith.constant 16 : i32
        %mul3A_287 = arith.muli %add3A_246, %mul3A_286 : i32
        %add3A_288 = arith.constant 0 : i32
        %add3A_289 = arith.addi %mul3A_287, %add3A_288 : i32
        %get3A_290 = arith.index_cast %add3A_289 : i32 to index
        %get3A_291 = tpu.vector_load %arg7[%get3A_290] {strides = array<i32>} : memref<4096xi32, #tpu.memory_space<vmem>>, vector<16xi32>,
        %slice3A_292 = vector.extract_strided_slice %get3A_291 {offsets = [0], sizes = [1], strides = [1]} : vector<16xi32> to vector<1xi32>
        %squeeze3A_293 = vector.extract %slice3A_292[0] : i32 from vector<1xi32>
        %mul3A_294 = arith.constant 768 : i32
        %mul3A_295 = arith.muli %squeeze3A_293, %mul3A_294 : i32
        %dma_start3A_296 = arith.constant 0 : i32
        %dma_start3A_297 = arith.constant 0 : i32
        %dma_start3A_298 = tpu.memref_slice %arg9[%dma_start3A_296, %dma_start3A_297] : memref<16x768xf32, #tpu.memory_space<vmem>> -> memref<1x768xf32, #tpu.memory_space<vmem>>
        %dma_start3A_299 = tpu.memref_squeeze %dma_start3A_298 : memref<1x768xf32, #tpu.memory_space<vmem>> -> memref<768xf32, #tpu.memory_space<vmem>>
        %dma_start3A_300 = tpu.memref_slice %arg5[%mul3A_295] : memref<443136xf32, #tpu.memory_space<vmem_shared>> -> memref<768xf32, #tpu.memory_space<vmem_shared>>
        %dma_start3A_301 = arith.constant 0 : i32
        %dma_start3A_302 = tpu.memref_slice %arg9[%dma_start3A_296, %dma_start3A_301] : memref<16x768xf32, #tpu.memory_space<vmem>> -> memref<1x768xf32, #tpu.memory_space<vmem>>
        %dma_start3A_303 = tpu.memref_squeeze %dma_start3A_302 : memref<1x768xf32, #tpu.memory_space<vmem>> -> memref<768xf32, #tpu.memory_space<vmem>>
        %dma_start3A_304 = tpu.memref_slice %arg5[%mul3A_295] : memref<443136xf32, #tpu.memory_space<vmem_shared>> -> memref<768xf32, #tpu.memory_space<vmem_shared>>
        tpu.enqueue_dma source(%dma_start3A_304 : memref<768xf32, #tpu.memory_space<vmem_shared>>) target(%dma_start3A_303 : memref<768xf32, #tpu.memory_space<vmem>>) target_semaphore(%arg11 : memref<!tpu.dma_semaphore, #tpu.memory_space<semaphore_mem>>)
        %slice3A_305 = vector.extract_strided_slice %get3A_291 {offsets = [1], sizes = [1], strides = [1]} : vector<16xi32> to vector<1xi32>
        %squeeze3A_306 = vector.extract %slice3A_305[0] : i32 from vector<1xi32>
        %mul3A_307 = arith.constant 768 : i32
        %mul3A_308 = arith.muli %squeeze3A_306, %mul3A_307 : i32
        %dma_start3A_309 = arith.constant 1 : i32
        %dma_start3A_310 = arith.constant 0 : i32
        %dma_start3A_311 = tpu.memref_slice %arg9[%dma_start3A_309, %dma_start3A_310] : memref<16x768xf32, #tpu.memory_space<vmem>> -> memref<1x768xf32, #tpu.memory_space<vmem>>
        %dma_start3A_312 = tpu.memref_squeeze %dma_start3A_311 : memref<1x768xf32, #tpu.memory_space<vmem>> -> memref<768xf32, #tpu.memory_space<vmem>>
        %dma_start3A_313 = tpu.memref_slice %arg5[%mul3A_308] : memref<443136xf32, #tpu.memory_space<vmem_shared>> -> memref<768xf32, #tpu.memory_space<vmem_shared>>
        %dma_start3A_314 = arith.constant 0 : i32
        %dma_start3A_315 = tpu.memref_slice %arg9[%dma_start3A_309, %dma_start3A_314] : memref<16x768xf32, #tpu.memory_space<vmem>> -> memref<1x768xf32, #tpu.memory_space<vmem>>
        %dma_start3A_316 = tpu.memref_squeeze %dma_start3A_315 : memref<1x768xf32, #tpu.memory_space<vmem>> -> memref<768xf32, #tpu.memory_space<vmem>>
        %dma_start3A_317 = tpu.memref_slice %arg5[%mul3A_308] : memref<443136xf32, #tpu.memory_space<vmem_shared>> -> memref<768xf32, #tpu.memory_space<vmem_shared>>
        tpu.enqueue_dma source(%dma_start3A_317 : memref<768xf32, #tpu.memory_space<vmem_shared>>) target(%dma_start3A_316 : memref<768xf32, #tpu.memory_space<vmem>>) target_semaphore(%arg11 : memref<!tpu.dma_semaphore, #tpu.memory_space<semaphore_mem>>)
        %slice3A_318 = vector.extract_strided_slice %get3A_291 {offsets = [2], sizes = [1], strides = [1]} : vector<16xi32> to vector<1xi32>
        %squeeze3A_319 = vector.extract %slice3A_318[0] : i32 from vector<1xi32>
        %mul3A_320 = arith.constant 768 : i32
        %mul3A_321 = arith.muli %squeeze3A_319, %mul3A_320 : i32
        %dma_start3A_322 = arith.constant 2 : i32
        %dma_start3A_323 = arith.constant 0 : i32
        %dma_start3A_324 = tpu.memref_slice %arg9[%dma_start3A_322, %dma_start3A_323] : memref<16x768xf32, #tpu.memory_space<vmem>> -> memref<1x768xf32, #tpu.memory_space<vmem>>
        %dma_start3A_325 = tpu.memref_squeeze %dma_start3A_324 : memref<1x768xf32, #tpu.memory_space<vmem>> -> memref<768xf32, #tpu.memory_space<vmem>>
        %dma_start3A_326 = tpu.memref_slice %arg5[%mul3A_321] : memref<443136xf32, #tpu.memory_space<vmem_shared>> -> memref<768xf32, #tpu.memory_space<vmem_shared>>
        %dma_start3A_327 = arith.constant 0 : i32
        %dma_start3A_328 = tpu.memref_slice %arg9[%dma_start3A_322, %dma_start3A_327] : memref<16x768xf32, #tpu.memory_space<vmem>> -> memref<1x768xf32, #tpu.memory_space<vmem>>
        %dma_start3A_329 = tpu.memref_squeeze %dma_start3A_328 : memref<1x768xf32, #tpu.memory_space<vmem>> -> memref<768xf32, #tpu.memory_space<vmem>>
        %dma_start3A_330 = tpu.memref_slice %arg5[%mul3A_321] : memref<443136xf32, #tpu.memory_space<vmem_shared>> -> memref<768xf32, #tpu.memory_space<vmem_shared>>
        tpu.enqueue_dma source(%dma_start3A_330 : memref<768xf32, #tpu.memory_space<vmem_shared>>) target(%dma_start3A_329 : memref<768xf32, #tpu.memory_space<vmem>>) target_semaphore(%arg11 : memref<!tpu.dma_semaphore, #tpu.memory_space<semaphore_mem>>)
        %slice3A_331 = vector.extract_strided_slice %get3A_291 {offsets = [3], sizes = [1], strides = [1]} : vector<16xi32> to vector<1xi32>
        %squeeze3A_332 = vector.extract %slice3A_331[0] : i32 from vector<1xi32>
        %mul3A_333 = arith.constant 768 : i32
        %mul3A_334 = arith.muli %squeeze3A_332, %mul3A_333 : i32
        %dma_start3A_335 = arith.constant 3 : i32
        %dma_start3A_336 = arith.constant 0 : i32
        %dma_start3A_337 = tpu.memref_slice %arg9[%dma_start3A_335, %dma_start3A_336] : memref<16x768xf32, #tpu.memory_space<vmem>> -> memref<1x768xf32, #tpu.memory_space<vmem>>
        %dma_start3A_338 = tpu.memref_squeeze %dma_start3A_337 : memref<1x768xf32, #tpu.memory_space<vmem>> -> memref<768xf32, #tpu.memory_space<vmem>>
        %dma_start3A_339 = tpu.memref_slice %arg5[%mul3A_334] : memref<443136xf32, #tpu.memory_space<vmem_shared>> -> memref<768xf32, #tpu.memory_space<vmem_shared>>
        %dma_start3A_340 = arith.constant 0 : i32
        %dma_start3A_341 = tpu.memref_slice %arg9[%dma_start3A_335, %dma_start3A_340] : memref<16x768xf32, #tpu.memory_space<vmem>> -> memref<1x768xf32, #tpu.memory_space<vmem>>
        %dma_start3A_342 = tpu.memref_squeeze %dma_start3A_341 : memref<1x768xf32, #tpu.memory_space<vmem>> -> memref<768xf32, #tpu.memory_space<vmem>>
        %dma_start3A_343 = tpu.memref_slice %arg5[%mul3A_334] : memref<443136xf32, #tpu.memory_space<vmem_shared>> -> memref<768xf32, #tpu.memory_space<vmem_shared>>
        tpu.enqueue_dma source(%dma_start3A_343 : memref<768xf32, #tpu.memory_space<vmem_shared>>) target(%dma_start3A_342 : memref<768xf32, #tpu.memory_space<vmem>>) target_semaphore(%arg11 : memref<!tpu.dma_semaphore, #tpu.memory_space<semaphore_mem>>)
        %slice3A_344 = vector.extract_strided_slice %get3A_291 {offsets = [4], sizes = [1], strides = [1]} : vector<16xi32> to vector<1xi32>
        %squeeze3A_345 = vector.extract %slice3A_344[0] : i32 from vector<1xi32>
        %mul3A_346 = arith.constant 768 : i32
        %mul3A_347 = arith.muli %squeeze3A_345, %mul3A_346 : i32
        %dma_start3A_348 = arith.constant 4 : i32
        %dma_start3A_349 = arith.constant 0 : i32
        %dma_start3A_350 = tpu.memref_slice %arg9[%dma_start3A_348, %dma_start3A_349] : memref<16x768xf32, #tpu.memory_space<vmem>> -> memref<1x768xf32, #tpu.memory_space<vmem>>
        %dma_start3A_351 = tpu.memref_squeeze %dma_start3A_350 : memref<1x768xf32, #tpu.memory_space<vmem>> -> memref<768xf32, #tpu.memory_space<vmem>>
        %dma_start3A_352 = tpu.memref_slice %arg5[%mul3A_347] : memref<443136xf32, #tpu.memory_space<vmem_shared>> -> memref<768xf32, #tpu.memory_space<vmem_shared>>
        %dma_start3A_353 = arith.constant 0 : i32
        %dma_start3A_354 = tpu.memref_slice %arg9[%dma_start3A_348, %dma_start3A_353] : memref<16x768xf32, #tpu.memory_space<vmem>> -> memref<1x768xf32, #tpu.memory_space<vmem>>
        %dma_start3A_355 = tpu.memref_squeeze %dma_start3A_354 : memref<1x768xf32, #tpu.memory_space<vmem>> -> memref<768xf32, #tpu.memory_space<vmem>>
        %dma_start3A_356 = tpu.memref_slice %arg5[%mul3A_347] : memref<443136xf32, #tpu.memory_space<vmem_shared>> -> memref<768xf32, #tpu.memory_space<vmem_shared>>
        tpu.enqueue_dma source(%dma_start3A_356 : memref<768xf32, #tpu.memory_space<vmem_shared>>) target(%dma_start3A_355 : memref<768xf32, #tpu.memory_space<vmem>>) target_semaphore(%arg11 : memref<!tpu.dma_semaphore, #tpu.memory_space<semaphore_mem>>)
        %slice3A_357 = vector.extract_strided_slice %get3A_291 {offsets = [5], sizes = [1], strides = [1]} : vector<16xi32> to vector<1xi32>
        %squeeze3A_358 = vector.extract %slice3A_357[0] : i32 from vector<1xi32>
        %mul3A_359 = arith.constant 768 : i32
        %mul3A_360 = arith.muli %squeeze3A_358, %mul3A_359 : i32
        %dma_start3A_361 = arith.constant 5 : i32
        %dma_start3A_362 = arith.constant 0 : i32
        %dma_start3A_363 = tpu.memref_slice %arg9[%dma_start3A_361, %dma_start3A_362] : memref<16x768xf32, #tpu.memory_space<vmem>> -> memref<1x768xf32, #tpu.memory_space<vmem>>
        %dma_start3A_364 = tpu.memref_squeeze %dma_start3A_363 : memref<1x768xf32, #tpu.memory_space<vmem>> -> memref<768xf32, #tpu.memory_space<vmem>>
        %dma_start3A_365 = tpu.memref_slice %arg5[%mul3A_360] : memref<443136xf32, #tpu.memory_space<vmem_shared>> -> memref<768xf32, #tpu.memory_space<vmem_shared>>
        %dma_start3A_366 = arith.constant 0 : i32
        %dma_start3A_367 = tpu.memref_slice %arg9[%dma_start3A_361, %dma_start3A_366] : memref<16x768xf32, #tpu.memory_space<vmem>> -> memref<1x768xf32, #tpu.memory_space<vmem>>
        %dma_start3A_368 = tpu.memref_squeeze %dma_start3A_367 : memref<1x768xf32, #tpu.memory_space<vmem>> -> memref<768xf32, #tpu.memory_space<vmem>>
        %dma_start3A_369 = tpu.memref_slice %arg5[%mul3A_360] : memref<443136xf32, #tpu.memory_space<vmem_shared>> -> memref<768xf32, #tpu.memory_space<vmem_shared>>
        tpu.enqueue_dma source(%dma_start3A_369 : memref<768xf32, #tpu.memory_space<vmem_shared>>) target(%dma_start3A_368 : memref<768xf32, #tpu.memory_space<vmem>>) target_semaphore(%arg11 : memref<!tpu.dma_semaphore, #tpu.memory_space<semaphore_mem>>)
        %slice3A_370 = vector.extract_strided_slice %get3A_291 {offsets = [6], sizes = [1], strides = [1]} : vector<16xi32> to vector<1xi32>
        %squeeze3A_371 = vector.extract %slice3A_370[0] : i32 from vector<1xi32>
        %mul3A_372 = arith.constant 768 : i32
        %mul3A_373 = arith.muli %squeeze3A_371, %mul3A_372 : i32
        %dma_start3A_374 = arith.constant 6 : i32
        %dma_start3A_375 = arith.constant 0 : i32
        %dma_start3A_376 = tpu.memref_slice %arg9[%dma_start3A_374, %dma_start3A_375] : memref<16x768xf32, #tpu.memory_space<vmem>> -> memref<1x768xf32, #tpu.memory_space<vmem>>
        %dma_start3A_377 = tpu.memref_squeeze %dma_start3A_376 : memref<1x768xf32, #tpu.memory_space<vmem>> -> memref<768xf32, #tpu.memory_space<vmem>>
        %dma_start3A_378 = tpu.memref_slice %arg5[%mul3A_373] : memref<443136xf32, #tpu.memory_space<vmem_shared>> -> memref<768xf32, #tpu.memory_space<vmem_shared>>
        %dma_start3A_379 = arith.constant 0 : i32
        %dma_start3A_380 = tpu.memref_slice %arg9[%dma_start3A_374, %dma_start3A_379] : memref<16x768xf32, #tpu.memory_space<vmem>> -> memref<1x768xf32, #tpu.memory_space<vmem>>
        %dma_start3A_381 = tpu.memref_squeeze %dma_start3A_380 : memref<1x768xf32, #tpu.memory_space<vmem>> -> memref<768xf32, #tpu.memory_space<vmem>>
        %dma_start3A_382 = tpu.memref_slice %arg5[%mul3A_373] : memref<443136xf32, #tpu.memory_space<vmem_shared>> -> memref<768xf32, #tpu.memory_space<vmem_shared>>
        tpu.enqueue_dma source(%dma_start3A_382 : memref<768xf32, #tpu.memory_space<vmem_shared>>) target(%dma_start3A_381 : memref<768xf32, #tpu.memory_space<vmem>>) target_semaphore(%arg11 : memref<!tpu.dma_semaphore, #tpu.memory_space<semaphore_mem>>)
        %slice3A_383 = vector.extract_strided_slice %get3A_291 {offsets = [7], sizes = [1], strides = [1]} : vector<16xi32> to vector<1xi32>
        %squeeze3A_384 = vector.extract %slice3A_383[0] : i32 from vector<1xi32>
        %mul3A_385 = arith.constant 768 : i32
        %mul3A_386 = arith.muli %squeeze3A_384, %mul3A_385 : i32
        %dma_start3A_387 = arith.constant 7 : i32
        %dma_start3A_388 = arith.constant 0 : i32
        %dma_start3A_389 = tpu.memref_slice %arg9[%dma_start3A_387, %dma_start3A_388] : memref<16x768xf32, #tpu.memory_space<vmem>> -> memref<1x768xf32, #tpu.memory_space<vmem>>
        %dma_start3A_390 = tpu.memref_squeeze %dma_start3A_389 : memref<1x768xf32, #tpu.memory_space<vmem>> -> memref<768xf32, #tpu.memory_space<vmem>>
        %dma_start3A_391 = tpu.memref_slice %arg5[%mul3A_386] : memref<443136xf32, #tpu.memory_space<vmem_shared>> -> memref<768xf32, #tpu.memory_space<vmem_shared>>
        %dma_start3A_392 = arith.constant 0 : i32
        %dma_start3A_393 = tpu.memref_slice %arg9[%dma_start3A_387, %dma_start3A_392] : memref<16x768xf32, #tpu.memory_space<vmem>> -> memref<1x768xf32, #tpu.memory_space<vmem>>
        %dma_start3A_394 = tpu.memref_squeeze %dma_start3A_393 : memref<1x768xf32, #tpu.memory_space<vmem>> -> memref<768xf32, #tpu.memory_space<vmem>>
        %dma_start3A_395 = tpu.memref_slice %arg5[%mul3A_386] : memref<443136xf32, #tpu.memory_space<vmem_shared>> -> memref<768xf32, #tpu.memory_space<vmem_shared>>
        tpu.enqueue_dma source(%dma_start3A_395 : memref<768xf32, #tpu.memory_space<vmem_shared>>) target(%dma_start3A_394 : memref<768xf32, #tpu.memory_space<vmem>>) target_semaphore(%arg11 : memref<!tpu.dma_semaphore, #tpu.memory_space<semaphore_mem>>)
        %slice3A_396 = vector.extract_strided_slice %get3A_291 {offsets = [8], sizes = [1], strides = [1]} : vector<16xi32> to vector<1xi32>
        %squeeze3A_397 = vector.extract %slice3A_396[0] : i32 from vector<1xi32>
        %mul3A_398 = arith.constant 768 : i32
        %mul3A_399 = arith.muli %squeeze3A_397, %mul3A_398 : i32
        %dma_start3A_400 = arith.constant 8 : i32
        %dma_start3A_401 = arith.constant 0 : i32
        %dma_start3A_402 = tpu.memref_slice %arg9[%dma_start3A_400, %dma_start3A_401] : memref<16x768xf32, #tpu.memory_space<vmem>> -> memref<1x768xf32, #tpu.memory_space<vmem>>
        %dma_start3A_403 = tpu.memref_squeeze %dma_start3A_402 : memref<1x768xf32, #tpu.memory_space<vmem>> -> memref<768xf32, #tpu.memory_space<vmem>>
        %dma_start3A_404 = tpu.memref_slice %arg5[%mul3A_399] : memref<443136xf32, #tpu.memory_space<vmem_shared>> -> memref<768xf32, #tpu.memory_space<vmem_shared>>
        %dma_start3A_405 = arith.constant 0 : i32
        %dma_start3A_406 = tpu.memref_slice %arg9[%dma_start3A_400, %dma_start3A_405] : memref<16x768xf32, #tpu.memory_space<vmem>> -> memref<1x768xf32, #tpu.memory_space<vmem>>
        %dma_start3A_407 = tpu.memref_squeeze %dma_start3A_406 : memref<1x768xf32, #tpu.memory_space<vmem>> -> memref<768xf32, #tpu.memory_space<vmem>>
        %dma_start3A_408 = tpu.memref_slice %arg5[%mul3A_399] : memref<443136xf32, #tpu.memory_space<vmem_shared>> -> memref<768xf32, #tpu.memory_space<vmem_shared>>
        tpu.enqueue_dma source(%dma_start3A_408 : memref<768xf32, #tpu.memory_space<vmem_shared>>) target(%dma_start3A_407 : memref<768xf32, #tpu.memory_space<vmem>>) target_semaphore(%arg11 : memref<!tpu.dma_semaphore, #tpu.memory_space<semaphore_mem>>)
        %slice3A_409 = vector.extract_strided_slice %get3A_291 {offsets = [9], sizes = [1], strides = [1]} : vector<16xi32> to vector<1xi32>
        %squeeze3A_410 = vector.extract %slice3A_409[0] : i32 from vector<1xi32>
        %mul3A_411 = arith.constant 768 : i32
        %mul3A_412 = arith.muli %squeeze3A_410, %mul3A_411 : i32
        %dma_start3A_413 = arith.constant 9 : i32
        %dma_start3A_414 = arith.constant 0 : i32
        %dma_start3A_415 = tpu.memref_slice %arg9[%dma_start3A_413, %dma_start3A_414] : memref<16x768xf32, #tpu.memory_space<vmem>> -> memref<1x768xf32, #tpu.memory_space<vmem>>
        %dma_start3A_416 = tpu.memref_squeeze %dma_start3A_415 : memref<1x768xf32, #tpu.memory_space<vmem>> -> memref<768xf32, #tpu.memory_space<vmem>>
        %dma_start3A_417 = tpu.memref_slice %arg5[%mul3A_412] : memref<443136xf32, #tpu.memory_space<vmem_shared>> -> memref<768xf32, #tpu.memory_space<vmem_shared>>
        %dma_start3A_418 = arith.constant 0 : i32
        %dma_start3A_419 = tpu.memref_slice %arg9[%dma_start3A_413, %dma_start3A_418] : memref<16x768xf32, #tpu.memory_space<vmem>> -> memref<1x768xf32, #tpu.memory_space<vmem>>
        %dma_start3A_420 = tpu.memref_squeeze %dma_start3A_419 : memref<1x768xf32, #tpu.memory_space<vmem>> -> memref<768xf32, #tpu.memory_space<vmem>>
        %dma_start3A_421 = tpu.memref_slice %arg5[%mul3A_412] : memref<443136xf32, #tpu.memory_space<vmem_shared>> -> memref<768xf32, #tpu.memory_space<vmem_shared>>
        tpu.enqueue_dma source(%dma_start3A_421 : memref<768xf32, #tpu.memory_space<vmem_shared>>) target(%dma_start3A_420 : memref<768xf32, #tpu.memory_space<vmem>>) target_semaphore(%arg11 : memref<!tpu.dma_semaphore, #tpu.memory_space<semaphore_mem>>)
        %slice3A_422 = vector.extract_strided_slice %get3A_291 {offsets = [10], sizes = [1], strides = [1]} : vector<16xi32> to vector<1xi32>
        %squeeze3A_423 = vector.extract %slice3A_422[0] : i32 from vector<1xi32>
        %mul3A_424 = arith.constant 768 : i32
        %mul3A_425 = arith.muli %squeeze3A_423, %mul3A_424 : i32
        %dma_start3A_426 = arith.constant 10 : i32
        %dma_start3A_427 = arith.constant 0 : i32
        %dma_start3A_428 = tpu.memref_slice %arg9[%dma_start3A_426, %dma_start3A_427] : memref<16x768xf32, #tpu.memory_space<vmem>> -> memref<1x768xf32, #tpu.memory_space<vmem>>
        %dma_start3A_429 = tpu.memref_squeeze %dma_start3A_428 : memref<1x768xf32, #tpu.memory_space<vmem>> -> memref<768xf32, #tpu.memory_space<vmem>>
        %dma_start3A_430 = tpu.memref_slice %arg5[%mul3A_425] : memref<443136xf32, #tpu.memory_space<vmem_shared>> -> memref<768xf32, #tpu.memory_space<vmem_shared>>
        %dma_start3A_431 = arith.constant 0 : i32
        %dma_start3A_432 = tpu.memref_slice %arg9[%dma_start3A_426, %dma_start3A_431] : memref<16x768xf32, #tpu.memory_space<vmem>> -> memref<1x768xf32, #tpu.memory_space<vmem>>
        %dma_start3A_433 = tpu.memref_squeeze %dma_start3A_432 : memref<1x768xf32, #tpu.memory_space<vmem>> -> memref<768xf32, #tpu.memory_space<vmem>>
        %dma_start3A_434 = tpu.memref_slice %arg5[%mul3A_425] : memref<443136xf32, #tpu.memory_space<vmem_shared>> -> memref<768xf32, #tpu.memory_space<vmem_shared>>
        tpu.enqueue_dma source(%dma_start3A_434 : memref<768xf32, #tpu.memory_space<vmem_shared>>) target(%dma_start3A_433 : memref<768xf32, #tpu.memory_space<vmem>>) target_semaphore(%arg11 : memref<!tpu.dma_semaphore, #tpu.memory_space<semaphore_mem>>)
        %slice3A_435 = vector.extract_strided_slice %get3A_291 {offsets = [11], sizes = [1], strides = [1]} : vector<16xi32> to vector<1xi32>
        %squeeze3A_436 = vector.extract %slice3A_435[0] : i32 from vector<1xi32>
        %mul3A_437 = arith.constant 768 : i32
        %mul3A_438 = arith.muli %squeeze3A_436, %mul3A_437 : i32
        %dma_start3A_439 = arith.constant 11 : i32
        %dma_start3A_440 = arith.constant 0 : i32
        %dma_start3A_441 = tpu.memref_slice %arg9[%dma_start3A_439, %dma_start3A_440] : memref<16x768xf32, #tpu.memory_space<vmem>> -> memref<1x768xf32, #tpu.memory_space<vmem>>
        %dma_start3A_442 = tpu.memref_squeeze %dma_start3A_441 : memref<1x768xf32, #tpu.memory_space<vmem>> -> memref<768xf32, #tpu.memory_space<vmem>>
        %dma_start3A_443 = tpu.memref_slice %arg5[%mul3A_438] : memref<443136xf32, #tpu.memory_space<vmem_shared>> -> memref<768xf32, #tpu.memory_space<vmem_shared>>
        %dma_start3A_444 = arith.constant 0 : i32
        %dma_start3A_445 = tpu.memref_slice %arg9[%dma_start3A_439, %dma_start3A_444] : memref<16x768xf32, #tpu.memory_space<vmem>> -> memref<1x768xf32, #tpu.memory_space<vmem>>
        %dma_start3A_446 = tpu.memref_squeeze %dma_start3A_445 : memref<1x768xf32, #tpu.memory_space<vmem>> -> memref<768xf32, #tpu.memory_space<vmem>>
        %dma_start3A_447 = tpu.memref_slice %arg5[%mul3A_438] : memref<443136xf32, #tpu.memory_space<vmem_shared>> -> memref<768xf32, #tpu.memory_space<vmem_shared>>
        tpu.enqueue_dma source(%dma_start3A_447 : memref<768xf32, #tpu.memory_space<vmem_shared>>) target(%dma_start3A_446 : memref<768xf32, #tpu.memory_space<vmem>>) target_semaphore(%arg11 : memref<!tpu.dma_semaphore, #tpu.memory_space<semaphore_mem>>)
        %slice3A_448 = vector.extract_strided_slice %get3A_291 {offsets = [12], sizes = [1], strides = [1]} : vector<16xi32> to vector<1xi32>
        %squeeze3A_449 = vector.extract %slice3A_448[0] : i32 from vector<1xi32>
        %mul3A_450 = arith.constant 768 : i32
        %mul3A_451 = arith.muli %squeeze3A_449, %mul3A_450 : i32
        %dma_start3A_452 = arith.constant 12 : i32
        %dma_start3A_453 = arith.constant 0 : i32
        %dma_start3A_454 = tpu.memref_slice %arg9[%dma_start3A_452, %dma_start3A_453] : memref<16x768xf32, #tpu.memory_space<vmem>> -> memref<1x768xf32, #tpu.memory_space<vmem>>
        %dma_start3A_455 = tpu.memref_squeeze %dma_start3A_454 : memref<1x768xf32, #tpu.memory_space<vmem>> -> memref<768xf32, #tpu.memory_space<vmem>>
        %dma_start3A_456 = tpu.memref_slice %arg5[%mul3A_451] : memref<443136xf32, #tpu.memory_space<vmem_shared>> -> memref<768xf32, #tpu.memory_space<vmem_shared>>
        %dma_start3A_457 = arith.constant 0 : i32
        %dma_start3A_458 = tpu.memref_slice %arg9[%dma_start3A_452, %dma_start3A_457] : memref<16x768xf32, #tpu.memory_space<vmem>> -> memref<1x768xf32, #tpu.memory_space<vmem>>
        %dma_start3A_459 = tpu.memref_squeeze %dma_start3A_458 : memref<1x768xf32, #tpu.memory_space<vmem>> -> memref<768xf32, #tpu.memory_space<vmem>>
        %dma_start3A_460 = tpu.memref_slice %arg5[%mul3A_451] : memref<443136xf32, #tpu.memory_space<vmem_shared>> -> memref<768xf32, #tpu.memory_space<vmem_shared>>
        tpu.enqueue_dma source(%dma_start3A_460 : memref<768xf32, #tpu.memory_space<vmem_shared>>) target(%dma_start3A_459 : memref<768xf32, #tpu.memory_space<vmem>>) target_semaphore(%arg11 : memref<!tpu.dma_semaphore, #tpu.memory_space<semaphore_mem>>)
        %slice3A_461 = vector.extract_strided_slice %get3A_291 {offsets = [13], sizes = [1], strides = [1]} : vector<16xi32> to vector<1xi32>
        %squeeze3A_462 = vector.extract %slice3A_461[0] : i32 from vector<1xi32>
        %mul3A_463 = arith.constant 768 : i32
        %mul3A_464 = arith.muli %squeeze3A_462, %mul3A_463 : i32
        %dma_start3A_465 = arith.constant 13 : i32
        %dma_start3A_466 = arith.constant 0 : i32
        %dma_start3A_467 = tpu.memref_slice %arg9[%dma_start3A_465, %dma_start3A_466] : memref<16x768xf32, #tpu.memory_space<vmem>> -> memref<1x768xf32, #tpu.memory_space<vmem>>
        %dma_start3A_468 = tpu.memref_squeeze %dma_start3A_467 : memref<1x768xf32, #tpu.memory_space<vmem>> -> memref<768xf32, #tpu.memory_space<vmem>>
        %dma_start3A_469 = tpu.memref_slice %arg5[%mul3A_464] : memref<443136xf32, #tpu.memory_space<vmem_shared>> -> memref<768xf32, #tpu.memory_space<vmem_shared>>
        %dma_start3A_470 = arith.constant 0 : i32
        %dma_start3A_471 = tpu.memref_slice %arg9[%dma_start3A_465, %dma_start3A_470] : memref<16x768xf32, #tpu.memory_space<vmem>> -> memref<1x768xf32, #tpu.memory_space<vmem>>
        %dma_start3A_472 = tpu.memref_squeeze %dma_start3A_471 : memref<1x768xf32, #tpu.memory_space<vmem>> -> memref<768xf32, #tpu.memory_space<vmem>>
        %dma_start3A_473 = tpu.memref_slice %arg5[%mul3A_464] : memref<443136xf32, #tpu.memory_space<vmem_shared>> -> memref<768xf32, #tpu.memory_space<vmem_shared>>
        tpu.enqueue_dma source(%dma_start3A_473 : memref<768xf32, #tpu.memory_space<vmem_shared>>) target(%dma_start3A_472 : memref<768xf32, #tpu.memory_space<vmem>>) target_semaphore(%arg11 : memref<!tpu.dma_semaphore, #tpu.memory_space<semaphore_mem>>)
        %slice3A_474 = vector.extract_strided_slice %get3A_291 {offsets = [14], sizes = [1], strides = [1]} : vector<16xi32> to vector<1xi32>
        %squeeze3A_475 = vector.extract %slice3A_474[0] : i32 from vector<1xi32>
        %mul3A_476 = arith.constant 768 : i32
        %mul3A_477 = arith.muli %squeeze3A_475, %mul3A_476 : i32
        %dma_start3A_478 = arith.constant 14 : i32
        %dma_start3A_479 = arith.constant 0 : i32
        %dma_start3A_480 = tpu.memref_slice %arg9[%dma_start3A_478, %dma_start3A_479] : memref<16x768xf32, #tpu.memory_space<vmem>> -> memref<1x768xf32, #tpu.memory_space<vmem>>
        %dma_start3A_481 = tpu.memref_squeeze %dma_start3A_480 : memref<1x768xf32, #tpu.memory_space<vmem>> -> memref<768xf32, #tpu.memory_space<vmem>>
        %dma_start3A_482 = tpu.memref_slice %arg5[%mul3A_477] : memref<443136xf32, #tpu.memory_space<vmem_shared>> -> memref<768xf32, #tpu.memory_space<vmem_shared>>
        %dma_start3A_483 = arith.constant 0 : i32
        %dma_start3A_484 = tpu.memref_slice %arg9[%dma_start3A_478, %dma_start3A_483] : memref<16x768xf32, #tpu.memory_space<vmem>> -> memref<1x768xf32, #tpu.memory_space<vmem>>
        %dma_start3A_485 = tpu.memref_squeeze %dma_start3A_484 : memref<1x768xf32, #tpu.memory_space<vmem>> -> memref<768xf32, #tpu.memory_space<vmem>>
        %dma_start3A_486 = tpu.memref_slice %arg5[%mul3A_477] : memref<443136xf32, #tpu.memory_space<vmem_shared>> -> memref<768xf32, #tpu.memory_space<vmem_shared>>
        tpu.enqueue_dma source(%dma_start3A_486 : memref<768xf32, #tpu.memory_space<vmem_shared>>) target(%dma_start3A_485 : memref<768xf32, #tpu.memory_space<vmem>>) target_semaphore(%arg11 : memref<!tpu.dma_semaphore, #tpu.memory_space<semaphore_mem>>)
        %slice3A_487 = vector.extract_strided_slice %get3A_291 {offsets = [15], sizes = [1], strides = [1]} : vector<16xi32> to vector<1xi32>
        %squeeze3A_488 = vector.extract %slice3A_487[0] : i32 from vector<1xi32>
        %mul3A_489 = arith.constant 768 : i32
        %mul3A_490 = arith.muli %squeeze3A_488, %mul3A_489 : i32
        %dma_start3A_491 = arith.constant 15 : i32
        %dma_start3A_492 = arith.constant 0 : i32
        %dma_start3A_493 = tpu.memref_slice %arg9[%dma_start3A_491, %dma_start3A_492] : memref<16x768xf32, #tpu.memory_space<vmem>> -> memref<1x768xf32, #tpu.memory_space<vmem>>
        %dma_start3A_494 = tpu.memref_squeeze %dma_start3A_493 : memref<1x768xf32, #tpu.memory_space<vmem>> -> memref<768xf32, #tpu.memory_space<vmem>>
        %dma_start3A_495 = tpu.memref_slice %arg5[%mul3A_490] : memref<443136xf32, #tpu.memory_space<vmem_shared>> -> memref<768xf32, #tpu.memory_space<vmem_shared>>
        %dma_start3A_496 = arith.constant 0 : i32
        %dma_start3A_497 = tpu.memref_slice %arg9[%dma_start3A_491, %dma_start3A_496] : memref<16x768xf32, #tpu.memory_space<vmem>> -> memref<1x768xf32, #tpu.memory_space<vmem>>
        %dma_start3A_498 = tpu.memref_squeeze %dma_start3A_497 : memref<1x768xf32, #tpu.memory_space<vmem>> -> memref<768xf32, #tpu.memory_space<vmem>>
        %dma_start3A_499 = tpu.memref_slice %arg5[%mul3A_490] : memref<443136xf32, #tpu.memory_space<vmem_shared>> -> memref<768xf32, #tpu.memory_space<vmem_shared>>
        tpu.enqueue_dma source(%dma_start3A_499 : memref<768xf32, #tpu.memory_space<vmem_shared>>) target(%dma_start3A_498 : memref<768xf32, #tpu.memory_space<vmem>>) target_semaphore(%arg11 : memref<!tpu.dma_semaphore, #tpu.memory_space<semaphore_mem>>)
      } else {
      }
      %dma_wait3A_251 = arith.constant 0 : i32
      %dma_wait3A_252 = tpu.memref_slice %arg4[%mul3A_2, %dma_wait3A_251] : memref<131072x768xf32, #tpu.memory_space<hbm>> -> memref<16x768xf32, #tpu.memory_space<hbm>>
      %dma_wait3A_253 = arith.constant 0 : i32
      %dma_wait3A_254 = tpu.memref_slice %arg4[%mul3A_2, %dma_wait3A_253] : memref<131072x768xf32, #tpu.memory_space<hbm>> -> memref<16x768xf32, #tpu.memory_space<hbm>>
      tpu.wait_dma2 semaphore(%arg10 : memref<!tpu.dma_semaphore, #tpu.memory_space<semaphore_mem>>) src(%dma_wait3A_254 : memref<16x768xf32, #tpu.memory_space<hbm>>) dst(%arg8 : memref<16x768xf32, #tpu.memory_space<vmem>>)
      %mul3A_255 = arith.constant 16 : i32
      %mul3A_256 = arith.muli %add3A_244, %mul3A_255 : i32
      %add3A_257 = arith.addi %mul3A_2, %mul3A_256 : i32
      %dma_start3A_258 = arith.constant 0 : i32
      %dma_start3A_259 = tpu.memref_slice %arg4[%add3A_257, %dma_start3A_258] : memref<131072x768xf32, #tpu.memory_space<hbm>> -> memref<16x768xf32, #tpu.memory_space<hbm>>
      %dma_start3A_260 = arith.constant 0 : i32
      %dma_start3A_261 = tpu.memref_slice %arg4[%add3A_257, %dma_start3A_260] : memref<131072x768xf32, #tpu.memory_space<hbm>> -> memref<16x768xf32, #tpu.memory_space<hbm>>
      tpu.enqueue_dma source(%arg8 : memref<16x768xf32, #tpu.memory_space<vmem>>) target(%dma_start3A_261 : memref<16x768xf32, #tpu.memory_space<hbm>>) target_semaphore(%arg12 : memref<!tpu.dma_semaphore, #tpu.memory_space<semaphore_mem>>)
      %add3A_262 = arith.constant 1 : i32
      %add3A_263 = arith.addi %add3A_242, %add3A_262 : i32
      %add3A_264 = arith.constant 1 : i32
      %add3A_265 = arith.addi %add3A_263, %add3A_264 : i32
      %lt3A_266 = arith.constant 256 : i32
      %lt3A_267 = arith.cmpi slt, %add3A_265, %lt3A_266 : i32
      %convert_element_type3A_268 = arith.extui %lt3A_267 : i1 to i32
      %cond3A_269 = arith.constant 0 : i32
      %cond3A_270 = arith.cmpi ne, %convert_element_type3A_268, %cond3A_269 : i32
      scf.if %cond3A_270 {
        %ge3A = arith.constant 2 : i32
        %ge3A_282 = arith.cmpi sge, %add3A_265, %ge3A : i32
        %convert_element_type3A_283 = arith.extui %ge3A_282 : i1 to i32
        %cond3A_284 = arith.constant 0 : i32
        %cond3A_285 = arith.cmpi ne, %convert_element_type3A_283, %cond3A_284 : i32
        scf.if %cond3A_285 {
          %sub3A = arith.constant 2 : i32
          %sub3A_500 = arith.subi %add3A_265, %sub3A : i32
          %mul3A_501 = arith.constant 16 : i32
          %mul3A_502 = arith.muli %sub3A_500, %mul3A_501 : i32
          %add3A_503 = arith.addi %mul3A_2, %mul3A_502 : i32
          %dma_wait3A_504 = arith.constant 0 : i32
          %dma_wait3A_505 = tpu.memref_slice %arg4[%add3A_503, %dma_wait3A_504] : memref<131072x768xf32, #tpu.memory_space<hbm>> -> memref<16x768xf32, #tpu.memory_space<hbm>>
          %dma_wait3A_506 = arith.constant 0 : i32
          %dma_wait3A_507 = tpu.memref_slice %arg4[%add3A_503, %dma_wait3A_506] : memref<131072x768xf32, #tpu.memory_space<hbm>> -> memref<16x768xf32, #tpu.memory_space<hbm>>
          tpu.wait_dma2 semaphore(%arg12 : memref<!tpu.dma_semaphore, #tpu.memory_space<semaphore_mem>>) src(%arg8 : memref<16x768xf32, #tpu.memory_space<vmem>>) dst(%dma_wait3A_507 : memref<16x768xf32, #tpu.memory_space<hbm>>)
        } else {
        }
        %mul3A_286 = arith.constant 16 : i32
        %mul3A_287 = arith.muli %add3A_265, %mul3A_286 : i32
        %add3A_288 = arith.constant 0 : i32
        %add3A_289 = arith.addi %mul3A_287, %add3A_288 : i32
        %get3A_290 = arith.index_cast %add3A_289 : i32 to index
        %get3A_291 = tpu.vector_load %arg7[%get3A_290] {strides = array<i32>} : memref<4096xi32, #tpu.memory_space<vmem>>, vector<16xi32>,
        %slice3A_292 = vector.extract_strided_slice %get3A_291 {offsets = [0], sizes = [1], strides = [1]} : vector<16xi32> to vector<1xi32>
        %squeeze3A_293 = vector.extract %slice3A_292[0] : i32 from vector<1xi32>
        %mul3A_294 = arith.constant 768 : i32
        %mul3A_295 = arith.muli %squeeze3A_293, %mul3A_294 : i32
        %dma_start3A_296 = arith.constant 0 : i32
        %dma_start3A_297 = arith.constant 0 : i32
        %dma_start3A_298 = tpu.memref_slice %arg8[%dma_start3A_296, %dma_start3A_297] : memref<16x768xf32, #tpu.memory_space<vmem>> -> memref<1x768xf32, #tpu.memory_space<vmem>>
        %dma_start3A_299 = tpu.memref_squeeze %dma_start3A_298 : memref<1x768xf32, #tpu.memory_space<vmem>> -> memref<768xf32, #tpu.memory_space<vmem>>
        %dma_start3A_300 = tpu.memref_slice %arg5[%mul3A_295] : memref<443136xf32, #tpu.memory_space<vmem_shared>> -> memref<768xf32, #tpu.memory_space<vmem_shared>>
        %dma_start3A_301 = arith.constant 0 : i32
        %dma_start3A_302 = tpu.memref_slice %arg8[%dma_start3A_296, %dma_start3A_301] : memref<16x768xf32, #tpu.memory_space<vmem>> -> memref<1x768xf32, #tpu.memory_space<vmem>>
        %dma_start3A_303 = tpu.memref_squeeze %dma_start3A_302 : memref<1x768xf32, #tpu.memory_space<vmem>> -> memref<768xf32, #tpu.memory_space<vmem>>
        %dma_start3A_304 = tpu.memref_slice %arg5[%mul3A_295] : memref<443136xf32, #tpu.memory_space<vmem_shared>> -> memref<768xf32, #tpu.memory_space<vmem_shared>>
        tpu.enqueue_dma source(%dma_start3A_304 : memref<768xf32, #tpu.memory_space<vmem_shared>>) target(%dma_start3A_303 : memref<768xf32, #tpu.memory_space<vmem>>) target_semaphore(%arg10 : memref<!tpu.dma_semaphore, #tpu.memory_space<semaphore_mem>>)
        %slice3A_305 = vector.extract_strided_slice %get3A_291 {offsets = [1], sizes = [1], strides = [1]} : vector<16xi32> to vector<1xi32>
        %squeeze3A_306 = vector.extract %slice3A_305[0] : i32 from vector<1xi32>
        %mul3A_307 = arith.constant 768 : i32
        %mul3A_308 = arith.muli %squeeze3A_306, %mul3A_307 : i32
        %dma_start3A_309 = arith.constant 1 : i32
        %dma_start3A_310 = arith.constant 0 : i32
        %dma_start3A_311 = tpu.memref_slice %arg8[%dma_start3A_309, %dma_start3A_310] : memref<16x768xf32, #tpu.memory_space<vmem>> -> memref<1x768xf32, #tpu.memory_space<vmem>>
        %dma_start3A_312 = tpu.memref_squeeze %dma_start3A_311 : memref<1x768xf32, #tpu.memory_space<vmem>> -> memref<768xf32, #tpu.memory_space<vmem>>
        %dma_start3A_313 = tpu.memref_slice %arg5[%mul3A_308] : memref<443136xf32, #tpu.memory_space<vmem_shared>> -> memref<768xf32, #tpu.memory_space<vmem_shared>>
        %dma_start3A_314 = arith.constant 0 : i32
        %dma_start3A_315 = tpu.memref_slice %arg8[%dma_start3A_309, %dma_start3A_314] : memref<16x768xf32, #tpu.memory_space<vmem>> -> memref<1x768xf32, #tpu.memory_space<vmem>>
        %dma_start3A_316 = tpu.memref_squeeze %dma_start3A_315 : memref<1x768xf32, #tpu.memory_space<vmem>> -> memref<768xf32, #tpu.memory_space<vmem>>
        %dma_start3A_317 = tpu.memref_slice %arg5[%mul3A_308] : memref<443136xf32, #tpu.memory_space<vmem_shared>> -> memref<768xf32, #tpu.memory_space<vmem_shared>>
        tpu.enqueue_dma source(%dma_start3A_317 : memref<768xf32, #tpu.memory_space<vmem_shared>>) target(%dma_start3A_316 : memref<768xf32, #tpu.memory_space<vmem>>) target_semaphore(%arg10 : memref<!tpu.dma_semaphore, #tpu.memory_space<semaphore_mem>>)
        %slice3A_318 = vector.extract_strided_slice %get3A_291 {offsets = [2], sizes = [1], strides = [1]} : vector<16xi32> to vector<1xi32>
        %squeeze3A_319 = vector.extract %slice3A_318[0] : i32 from vector<1xi32>
        %mul3A_320 = arith.constant 768 : i32
        %mul3A_321 = arith.muli %squeeze3A_319, %mul3A_320 : i32
        %dma_start3A_322 = arith.constant 2 : i32
        %dma_start3A_323 = arith.constant 0 : i32
        %dma_start3A_324 = tpu.memref_slice %arg8[%dma_start3A_322, %dma_start3A_323] : memref<16x768xf32, #tpu.memory_space<vmem>> -> memref<1x768xf32, #tpu.memory_space<vmem>>
        %dma_start3A_325 = tpu.memref_squeeze %dma_start3A_324 : memref<1x768xf32, #tpu.memory_space<vmem>> -> memref<768xf32, #tpu.memory_space<vmem>>
        %dma_start3A_326 = tpu.memref_slice %arg5[%mul3A_321] : memref<443136xf32, #tpu.memory_space<vmem_shared>> -> memref<768xf32, #tpu.memory_space<vmem_shared>>
        %dma_start3A_327 = arith.constant 0 : i32
        %dma_start3A_328 = tpu.memref_slice %arg8[%dma_start3A_322, %dma_start3A_327] : memref<16x768xf32, #tpu.memory_space<vmem>> -> memref<1x768xf32, #tpu.memory_space<vmem>>
        %dma_start3A_329 = tpu.memref_squeeze %dma_start3A_328 : memref<1x768xf32, #tpu.memory_space<vmem>> -> memref<768xf32, #tpu.memory_space<vmem>>
        %dma_start3A_330 = tpu.memref_slice %arg5[%mul3A_321] : memref<443136xf32, #tpu.memory_space<vmem_shared>> -> memref<768xf32, #tpu.memory_space<vmem_shared>>
        tpu.enqueue_dma source(%dma_start3A_330 : memref<768xf32, #tpu.memory_space<vmem_shared>>) target(%dma_start3A_329 : memref<768xf32, #tpu.memory_space<vmem>>) target_semaphore(%arg10 : memref<!tpu.dma_semaphore, #tpu.memory_space<semaphore_mem>>)
        %slice3A_331 = vector.extract_strided_slice %get3A_291 {offsets = [3], sizes = [1], strides = [1]} : vector<16xi32> to vector<1xi32>
        %squeeze3A_332 = vector.extract %slice3A_331[0] : i32 from vector<1xi32>
        %mul3A_333 = arith.constant 768 : i32
        %mul3A_334 = arith.muli %squeeze3A_332, %mul3A_333 : i32
        %dma_start3A_335 = arith.constant 3 : i32
        %dma_start3A_336 = arith.constant 0 : i32
        %dma_start3A_337 = tpu.memref_slice %arg8[%dma_start3A_335, %dma_start3A_336] : memref<16x768xf32, #tpu.memory_space<vmem>> -> memref<1x768xf32, #tpu.memory_space<vmem>>
        %dma_start3A_338 = tpu.memref_squeeze %dma_start3A_337 : memref<1x768xf32, #tpu.memory_space<vmem>> -> memref<768xf32, #tpu.memory_space<vmem>>
        %dma_start3A_339 = tpu.memref_slice %arg5[%mul3A_334] : memref<443136xf32, #tpu.memory_space<vmem_shared>> -> memref<768xf32, #tpu.memory_space<vmem_shared>>
        %dma_start3A_340 = arith.constant 0 : i32
        %dma_start3A_341 = tpu.memref_slice %arg8[%dma_start3A_335, %dma_start3A_340] : memref<16x768xf32, #tpu.memory_space<vmem>> -> memref<1x768xf32, #tpu.memory_space<vmem>>
        %dma_start3A_342 = tpu.memref_squeeze %dma_start3A_341 : memref<1x768xf32, #tpu.memory_space<vmem>> -> memref<768xf32, #tpu.memory_space<vmem>>
        %dma_start3A_343 = tpu.memref_slice %arg5[%mul3A_334] : memref<443136xf32, #tpu.memory_space<vmem_shared>> -> memref<768xf32, #tpu.memory_space<vmem_shared>>
        tpu.enqueue_dma source(%dma_start3A_343 : memref<768xf32, #tpu.memory_space<vmem_shared>>) target(%dma_start3A_342 : memref<768xf32, #tpu.memory_space<vmem>>) target_semaphore(%arg10 : memref<!tpu.dma_semaphore, #tpu.memory_space<semaphore_mem>>)
        %slice3A_344 = vector.extract_strided_slice %get3A_291 {offsets = [4], sizes = [1], strides = [1]} : vector<16xi32> to vector<1xi32>
        %squeeze3A_345 = vector.extract %slice3A_344[0] : i32 from vector<1xi32>
        %mul3A_346 = arith.constant 768 : i32
        %mul3A_347 = arith.muli %squeeze3A_345, %mul3A_346 : i32
        %dma_start3A_348 = arith.constant 4 : i32
        %dma_start3A_349 = arith.constant 0 : i32
        %dma_start3A_350 = tpu.memref_slice %arg8[%dma_start3A_348, %dma_start3A_349] : memref<16x768xf32, #tpu.memory_space<vmem>> -> memref<1x768xf32, #tpu.memory_space<vmem>>
        %dma_start3A_351 = tpu.memref_squeeze %dma_start3A_350 : memref<1x768xf32, #tpu.memory_space<vmem>> -> memref<768xf32, #tpu.memory_space<vmem>>
        %dma_start3A_352 = tpu.memref_slice %arg5[%mul3A_347] : memref<443136xf32, #tpu.memory_space<vmem_shared>> -> memref<768xf32, #tpu.memory_space<vmem_shared>>
        %dma_start3A_353 = arith.constant 0 : i32
        %dma_start3A_354 = tpu.memref_slice %arg8[%dma_start3A_348, %dma_start3A_353] : memref<16x768xf32, #tpu.memory_space<vmem>> -> memref<1x768xf32, #tpu.memory_space<vmem>>
        %dma_start3A_355 = tpu.memref_squeeze %dma_start3A_354 : memref<1x768xf32, #tpu.memory_space<vmem>> -> memref<768xf32, #tpu.memory_space<vmem>>
        %dma_start3A_356 = tpu.memref_slice %arg5[%mul3A_347] : memref<443136xf32, #tpu.memory_space<vmem_shared>> -> memref<768xf32, #tpu.memory_space<vmem_shared>>
        tpu.enqueue_dma source(%dma_start3A_356 : memref<768xf32, #tpu.memory_space<vmem_shared>>) target(%dma_start3A_355 : memref<768xf32, #tpu.memory_space<vmem>>) target_semaphore(%arg10 : memref<!tpu.dma_semaphore, #tpu.memory_space<semaphore_mem>>)
        %slice3A_357 = vector.extract_strided_slice %get3A_291 {offsets = [5], sizes = [1], strides = [1]} : vector<16xi32> to vector<1xi32>
        %squeeze3A_358 = vector.extract %slice3A_357[0] : i32 from vector<1xi32>
        %mul3A_359 = arith.constant 768 : i32
        %mul3A_360 = arith.muli %squeeze3A_358, %mul3A_359 : i32
        %dma_start3A_361 = arith.constant 5 : i32
        %dma_start3A_362 = arith.constant 0 : i32
        %dma_start3A_363 = tpu.memref_slice %arg8[%dma_start3A_361, %dma_start3A_362] : memref<16x768xf32, #tpu.memory_space<vmem>> -> memref<1x768xf32, #tpu.memory_space<vmem>>
        %dma_start3A_364 = tpu.memref_squeeze %dma_start3A_363 : memref<1x768xf32, #tpu.memory_space<vmem>> -> memref<768xf32, #tpu.memory_space<vmem>>
        %dma_start3A_365 = tpu.memref_slice %arg5[%mul3A_360] : memref<443136xf32, #tpu.memory_space<vmem_shared>> -> memref<768xf32, #tpu.memory_space<vmem_shared>>
        %dma_start3A_366 = arith.constant 0 : i32
        %dma_start3A_367 = tpu.memref_slice %arg8[%dma_start3A_361, %dma_start3A_366] : memref<16x768xf32, #tpu.memory_space<vmem>> -> memref<1x768xf32, #tpu.memory_space<vmem>>
        %dma_start3A_368 = tpu.memref_squeeze %dma_start3A_367 : memref<1x768xf32, #tpu.memory_space<vmem>> -> memref<768xf32, #tpu.memory_space<vmem>>
        %dma_start3A_369 = tpu.memref_slice %arg5[%mul3A_360] : memref<443136xf32, #tpu.memory_space<vmem_shared>> -> memref<768xf32, #tpu.memory_space<vmem_shared>>
        tpu.enqueue_dma source(%dma_start3A_369 : memref<768xf32, #tpu.memory_space<vmem_shared>>) target(%dma_start3A_368 : memref<768xf32, #tpu.memory_space<vmem>>) target_semaphore(%arg10 : memref<!tpu.dma_semaphore, #tpu.memory_space<semaphore_mem>>)
        %slice3A_370 = vector.extract_strided_slice %get3A_291 {offsets = [6], sizes = [1], strides = [1]} : vector<16xi32> to vector<1xi32>
        %squeeze3A_371 = vector.extract %slice3A_370[0] : i32 from vector<1xi32>
        %mul3A_372 = arith.constant 768 : i32
        %mul3A_373 = arith.muli %squeeze3A_371, %mul3A_372 : i32
        %dma_start3A_374 = arith.constant 6 : i32
        %dma_start3A_375 = arith.constant 0 : i32
        %dma_start3A_376 = tpu.memref_slice %arg8[%dma_start3A_374, %dma_start3A_375] : memref<16x768xf32, #tpu.memory_space<vmem>> -> memref<1x768xf32, #tpu.memory_space<vmem>>
        %dma_start3A_377 = tpu.memref_squeeze %dma_start3A_376 : memref<1x768xf32, #tpu.memory_space<vmem>> -> memref<768xf32, #tpu.memory_space<vmem>>
        %dma_start3A_378 = tpu.memref_slice %arg5[%mul3A_373] : memref<443136xf32, #tpu.memory_space<vmem_shared>> -> memref<768xf32, #tpu.memory_space<vmem_shared>>
        %dma_start3A_379 = arith.constant 0 : i32
        %dma_start3A_380 = tpu.memref_slice %arg8[%dma_start3A_374, %dma_start3A_379] : memref<16x768xf32, #tpu.memory_space<vmem>> -> memref<1x768xf32, #tpu.memory_space<vmem>>
        %dma_start3A_381 = tpu.memref_squeeze %dma_start3A_380 : memref<1x768xf32, #tpu.memory_space<vmem>> -> memref<768xf32, #tpu.memory_space<vmem>>
        %dma_start3A_382 = tpu.memref_slice %arg5[%mul3A_373] : memref<443136xf32, #tpu.memory_space<vmem_shared>> -> memref<768xf32, #tpu.memory_space<vmem_shared>>
        tpu.enqueue_dma source(%dma_start3A_382 : memref<768xf32, #tpu.memory_space<vmem_shared>>) target(%dma_start3A_381 : memref<768xf32, #tpu.memory_space<vmem>>) target_semaphore(%arg10 : memref<!tpu.dma_semaphore, #tpu.memory_space<semaphore_mem>>)
        %slice3A_383 = vector.extract_strided_slice %get3A_291 {offsets = [7], sizes = [1], strides = [1]} : vector<16xi32> to vector<1xi32>
        %squeeze3A_384 = vector.extract %slice3A_383[0] : i32 from vector<1xi32>
        %mul3A_385 = arith.constant 768 : i32
        %mul3A_386 = arith.muli %squeeze3A_384, %mul3A_385 : i32
        %dma_start3A_387 = arith.constant 7 : i32
        %dma_start3A_388 = arith.constant 0 : i32
        %dma_start3A_389 = tpu.memref_slice %arg8[%dma_start3A_387, %dma_start3A_388] : memref<16x768xf32, #tpu.memory_space<vmem>> -> memref<1x768xf32, #tpu.memory_space<vmem>>
        %dma_start3A_390 = tpu.memref_squeeze %dma_start3A_389 : memref<1x768xf32, #tpu.memory_space<vmem>> -> memref<768xf32, #tpu.memory_space<vmem>>
        %dma_start3A_391 = tpu.memref_slice %arg5[%mul3A_386] : memref<443136xf32, #tpu.memory_space<vmem_shared>> -> memref<768xf32, #tpu.memory_space<vmem_shared>>
        %dma_start3A_392 = arith.constant 0 : i32
        %dma_start3A_393 = tpu.memref_slice %arg8[%dma_start3A_387, %dma_start3A_392] : memref<16x768xf32, #tpu.memory_space<vmem>> -> memref<1x768xf32, #tpu.memory_space<vmem>>
        %dma_start3A_394 = tpu.memref_squeeze %dma_start3A_393 : memref<1x768xf32, #tpu.memory_space<vmem>> -> memref<768xf32, #tpu.memory_space<vmem>>
        %dma_start3A_395 = tpu.memref_slice %arg5[%mul3A_386] : memref<443136xf32, #tpu.memory_space<vmem_shared>> -> memref<768xf32, #tpu.memory_space<vmem_shared>>
        tpu.enqueue_dma source(%dma_start3A_395 : memref<768xf32, #tpu.memory_space<vmem_shared>>) target(%dma_start3A_394 : memref<768xf32, #tpu.memory_space<vmem>>) target_semaphore(%arg10 : memref<!tpu.dma_semaphore, #tpu.memory_space<semaphore_mem>>)
        %slice3A_396 = vector.extract_strided_slice %get3A_291 {offsets = [8], sizes = [1], strides = [1]} : vector<16xi32> to vector<1xi32>
        %squeeze3A_397 = vector.extract %slice3A_396[0] : i32 from vector<1xi32>
        %mul3A_398 = arith.constant 768 : i32
        %mul3A_399 = arith.muli %squeeze3A_397, %mul3A_398 : i32
        %dma_start3A_400 = arith.constant 8 : i32
        %dma_start3A_401 = arith.constant 0 : i32
        %dma_start3A_402 = tpu.memref_slice %arg8[%dma_start3A_400, %dma_start3A_401] : memref<16x768xf32, #tpu.memory_space<vmem>> -> memref<1x768xf32, #tpu.memory_space<vmem>>
        %dma_start3A_403 = tpu.memref_squeeze %dma_start3A_402 : memref<1x768xf32, #tpu.memory_space<vmem>> -> memref<768xf32, #tpu.memory_space<vmem>>
        %dma_start3A_404 = tpu.memref_slice %arg5[%mul3A_399] : memref<443136xf32, #tpu.memory_space<vmem_shared>> -> memref<768xf32, #tpu.memory_space<vmem_shared>>
        %dma_start3A_405 = arith.constant 0 : i32
        %dma_start3A_406 = tpu.memref_slice %arg8[%dma_start3A_400, %dma_start3A_405] : memref<16x768xf32, #tpu.memory_space<vmem>> -> memref<1x768xf32, #tpu.memory_space<vmem>>
        %dma_start3A_407 = tpu.memref_squeeze %dma_start3A_406 : memref<1x768xf32, #tpu.memory_space<vmem>> -> memref<768xf32, #tpu.memory_space<vmem>>
        %dma_start3A_408 = tpu.memref_slice %arg5[%mul3A_399] : memref<443136xf32, #tpu.memory_space<vmem_shared>> -> memref<768xf32, #tpu.memory_space<vmem_shared>>
        tpu.enqueue_dma source(%dma_start3A_408 : memref<768xf32, #tpu.memory_space<vmem_shared>>) target(%dma_start3A_407 : memref<768xf32, #tpu.memory_space<vmem>>) target_semaphore(%arg10 : memref<!tpu.dma_semaphore, #tpu.memory_space<semaphore_mem>>)
        %slice3A_409 = vector.extract_strided_slice %get3A_291 {offsets = [9], sizes = [1], strides = [1]} : vector<16xi32> to vector<1xi32>
        %squeeze3A_410 = vector.extract %slice3A_409[0] : i32 from vector<1xi32>
        %mul3A_411 = arith.constant 768 : i32
        %mul3A_412 = arith.muli %squeeze3A_410, %mul3A_411 : i32
        %dma_start3A_413 = arith.constant 9 : i32
        %dma_start3A_414 = arith.constant 0 : i32
        %dma_start3A_415 = tpu.memref_slice %arg8[%dma_start3A_413, %dma_start3A_414] : memref<16x768xf32, #tpu.memory_space<vmem>> -> memref<1x768xf32, #tpu.memory_space<vmem>>
        %dma_start3A_416 = tpu.memref_squeeze %dma_start3A_415 : memref<1x768xf32, #tpu.memory_space<vmem>> -> memref<768xf32, #tpu.memory_space<vmem>>
        %dma_start3A_417 = tpu.memref_slice %arg5[%mul3A_412] : memref<443136xf32, #tpu.memory_space<vmem_shared>> -> memref<768xf32, #tpu.memory_space<vmem_shared>>
        %dma_start3A_418 = arith.constant 0 : i32
        %dma_start3A_419 = tpu.memref_slice %arg8[%dma_start3A_413, %dma_start3A_418] : memref<16x768xf32, #tpu.memory_space<vmem>> -> memref<1x768xf32, #tpu.memory_space<vmem>>
        %dma_start3A_420 = tpu.memref_squeeze %dma_start3A_419 : memref<1x768xf32, #tpu.memory_space<vmem>> -> memref<768xf32, #tpu.memory_space<vmem>>
        %dma_start3A_421 = tpu.memref_slice %arg5[%mul3A_412] : memref<443136xf32, #tpu.memory_space<vmem_shared>> -> memref<768xf32, #tpu.memory_space<vmem_shared>>
        tpu.enqueue_dma source(%dma_start3A_421 : memref<768xf32, #tpu.memory_space<vmem_shared>>) target(%dma_start3A_420 : memref<768xf32, #tpu.memory_space<vmem>>) target_semaphore(%arg10 : memref<!tpu.dma_semaphore, #tpu.memory_space<semaphore_mem>>)
        %slice3A_422 = vector.extract_strided_slice %get3A_291 {offsets = [10], sizes = [1], strides = [1]} : vector<16xi32> to vector<1xi32>
        %squeeze3A_423 = vector.extract %slice3A_422[0] : i32 from vector<1xi32>
        %mul3A_424 = arith.constant 768 : i32
        %mul3A_425 = arith.muli %squeeze3A_423, %mul3A_424 : i32
        %dma_start3A_426 = arith.constant 10 : i32
        %dma_start3A_427 = arith.constant 0 : i32
        %dma_start3A_428 = tpu.memref_slice %arg8[%dma_start3A_426, %dma_start3A_427] : memref<16x768xf32, #tpu.memory_space<vmem>> -> memref<1x768xf32, #tpu.memory_space<vmem>>
        %dma_start3A_429 = tpu.memref_squeeze %dma_start3A_428 : memref<1x768xf32, #tpu.memory_space<vmem>> -> memref<768xf32, #tpu.memory_space<vmem>>
        %dma_start3A_430 = tpu.memref_slice %arg5[%mul3A_425] : memref<443136xf32, #tpu.memory_space<vmem_shared>> -> memref<768xf32, #tpu.memory_space<vmem_shared>>
        %dma_start3A_431 = arith.constant 0 : i32
        %dma_start3A_432 = tpu.memref_slice %arg8[%dma_start3A_426, %dma_start3A_431] : memref<16x768xf32, #tpu.memory_space<vmem>> -> memref<1x768xf32, #tpu.memory_space<vmem>>
        %dma_start3A_433 = tpu.memref_squeeze %dma_start3A_432 : memref<1x768xf32, #tpu.memory_space<vmem>> -> memref<768xf32, #tpu.memory_space<vmem>>
        %dma_start3A_434 = tpu.memref_slice %arg5[%mul3A_425] : memref<443136xf32, #tpu.memory_space<vmem_shared>> -> memref<768xf32, #tpu.memory_space<vmem_shared>>
        tpu.enqueue_dma source(%dma_start3A_434 : memref<768xf32, #tpu.memory_space<vmem_shared>>) target(%dma_start3A_433 : memref<768xf32, #tpu.memory_space<vmem>>) target_semaphore(%arg10 : memref<!tpu.dma_semaphore, #tpu.memory_space<semaphore_mem>>)
        %slice3A_435 = vector.extract_strided_slice %get3A_291 {offsets = [11], sizes = [1], strides = [1]} : vector<16xi32> to vector<1xi32>
        %squeeze3A_436 = vector.extract %slice3A_435[0] : i32 from vector<1xi32>
        %mul3A_437 = arith.constant 768 : i32
        %mul3A_438 = arith.muli %squeeze3A_436, %mul3A_437 : i32
        %dma_start3A_439 = arith.constant 11 : i32
        %dma_start3A_440 = arith.constant 0 : i32
        %dma_start3A_441 = tpu.memref_slice %arg8[%dma_start3A_439, %dma_start3A_440] : memref<16x768xf32, #tpu.memory_space<vmem>> -> memref<1x768xf32, #tpu.memory_space<vmem>>
        %dma_start3A_442 = tpu.memref_squeeze %dma_start3A_441 : memref<1x768xf32, #tpu.memory_space<vmem>> -> memref<768xf32, #tpu.memory_space<vmem>>
        %dma_start3A_443 = tpu.memref_slice %arg5[%mul3A_438] : memref<443136xf32, #tpu.memory_space<vmem_shared>> -> memref<768xf32, #tpu.memory_space<vmem_shared>>
        %dma_start3A_444 = arith.constant 0 : i32
        %dma_start3A_445 = tpu.memref_slice %arg8[%dma_start3A_439, %dma_start3A_444] : memref<16x768xf32, #tpu.memory_space<vmem>> -> memref<1x768xf32, #tpu.memory_space<vmem>>
        %dma_start3A_446 = tpu.memref_squeeze %dma_start3A_445 : memref<1x768xf32, #tpu.memory_space<vmem>> -> memref<768xf32, #tpu.memory_space<vmem>>
        %dma_start3A_447 = tpu.memref_slice %arg5[%mul3A_438] : memref<443136xf32, #tpu.memory_space<vmem_shared>> -> memref<768xf32, #tpu.memory_space<vmem_shared>>
        tpu.enqueue_dma source(%dma_start3A_447 : memref<768xf32, #tpu.memory_space<vmem_shared>>) target(%dma_start3A_446 : memref<768xf32, #tpu.memory_space<vmem>>) target_semaphore(%arg10 : memref<!tpu.dma_semaphore, #tpu.memory_space<semaphore_mem>>)
        %slice3A_448 = vector.extract_strided_slice %get3A_291 {offsets = [12], sizes = [1], strides = [1]} : vector<16xi32> to vector<1xi32>
        %squeeze3A_449 = vector.extract %slice3A_448[0] : i32 from vector<1xi32>
        %mul3A_450 = arith.constant 768 : i32
        %mul3A_451 = arith.muli %squeeze3A_449, %mul3A_450 : i32
        %dma_start3A_452 = arith.constant 12 : i32
        %dma_start3A_453 = arith.constant 0 : i32
        %dma_start3A_454 = tpu.memref_slice %arg8[%dma_start3A_452, %dma_start3A_453] : memref<16x768xf32, #tpu.memory_space<vmem>> -> memref<1x768xf32, #tpu.memory_space<vmem>>
        %dma_start3A_455 = tpu.memref_squeeze %dma_start3A_454 : memref<1x768xf32, #tpu.memory_space<vmem>> -> memref<768xf32, #tpu.memory_space<vmem>>
        %dma_start3A_456 = tpu.memref_slice %arg5[%mul3A_451] : memref<443136xf32, #tpu.memory_space<vmem_shared>> -> memref<768xf32, #tpu.memory_space<vmem_shared>>
        %dma_start3A_457 = arith.constant 0 : i32
        %dma_start3A_458 = tpu.memref_slice %arg8[%dma_start3A_452, %dma_start3A_457] : memref<16x768xf32, #tpu.memory_space<vmem>> -> memref<1x768xf32, #tpu.memory_space<vmem>>
        %dma_start3A_459 = tpu.memref_squeeze %dma_start3A_458 : memref<1x768xf32, #tpu.memory_space<vmem>> -> memref<768xf32, #tpu.memory_space<vmem>>
        %dma_start3A_460 = tpu.memref_slice %arg5[%mul3A_451] : memref<443136xf32, #tpu.memory_space<vmem_shared>> -> memref<768xf32, #tpu.memory_space<vmem_shared>>
        tpu.enqueue_dma source(%dma_start3A_460 : memref<768xf32, #tpu.memory_space<vmem_shared>>) target(%dma_start3A_459 : memref<768xf32, #tpu.memory_space<vmem>>) target_semaphore(%arg10 : memref<!tpu.dma_semaphore, #tpu.memory_space<semaphore_mem>>)
        %slice3A_461 = vector.extract_strided_slice %get3A_291 {offsets = [13], sizes = [1], strides = [1]} : vector<16xi32> to vector<1xi32>
        %squeeze3A_462 = vector.extract %slice3A_461[0] : i32 from vector<1xi32>
        %mul3A_463 = arith.constant 768 : i32
        %mul3A_464 = arith.muli %squeeze3A_462, %mul3A_463 : i32
        %dma_start3A_465 = arith.constant 13 : i32
        %dma_start3A_466 = arith.constant 0 : i32
        %dma_start3A_467 = tpu.memref_slice %arg8[%dma_start3A_465, %dma_start3A_466] : memref<16x768xf32, #tpu.memory_space<vmem>> -> memref<1x768xf32, #tpu.memory_space<vmem>>
        %dma_start3A_468 = tpu.memref_squeeze %dma_start3A_467 : memref<1x768xf32, #tpu.memory_space<vmem>> -> memref<768xf32, #tpu.memory_space<vmem>>
        %dma_start3A_469 = tpu.memref_slice %arg5[%mul3A_464] : memref<443136xf32, #tpu.memory_space<vmem_shared>> -> memref<768xf32, #tpu.memory_space<vmem_shared>>
        %dma_start3A_470 = arith.constant 0 : i32
        %dma_start3A_471 = tpu.memref_slice %arg8[%dma_start3A_465, %dma_start3A_470] : memref<16x768xf32, #tpu.memory_space<vmem>> -> memref<1x768xf32, #tpu.memory_space<vmem>>
        %dma_start3A_472 = tpu.memref_squeeze %dma_start3A_471 : memref<1x768xf32, #tpu.memory_space<vmem>> -> memref<768xf32, #tpu.memory_space<vmem>>
        %dma_start3A_473 = tpu.memref_slice %arg5[%mul3A_464] : memref<443136xf32, #tpu.memory_space<vmem_shared>> -> memref<768xf32, #tpu.memory_space<vmem_shared>>
        tpu.enqueue_dma source(%dma_start3A_473 : memref<768xf32, #tpu.memory_space<vmem_shared>>) target(%dma_start3A_472 : memref<768xf32, #tpu.memory_space<vmem>>) target_semaphore(%arg10 : memref<!tpu.dma_semaphore, #tpu.memory_space<semaphore_mem>>)
        %slice3A_474 = vector.extract_strided_slice %get3A_291 {offsets = [14], sizes = [1], strides = [1]} : vector<16xi32> to vector<1xi32>
        %squeeze3A_475 = vector.extract %slice3A_474[0] : i32 from vector<1xi32>
        %mul3A_476 = arith.constant 768 : i32
        %mul3A_477 = arith.muli %squeeze3A_475, %mul3A_476 : i32
        %dma_start3A_478 = arith.constant 14 : i32
        %dma_start3A_479 = arith.constant 0 : i32
        %dma_start3A_480 = tpu.memref_slice %arg8[%dma_start3A_478, %dma_start3A_479] : memref<16x768xf32, #tpu.memory_space<vmem>> -> memref<1x768xf32, #tpu.memory_space<vmem>>
        %dma_start3A_481 = tpu.memref_squeeze %dma_start3A_480 : memref<1x768xf32, #tpu.memory_space<vmem>> -> memref<768xf32, #tpu.memory_space<vmem>>
        %dma_start3A_482 = tpu.memref_slice %arg5[%mul3A_477] : memref<443136xf32, #tpu.memory_space<vmem_shared>> -> memref<768xf32, #tpu.memory_space<vmem_shared>>
        %dma_start3A_483 = arith.constant 0 : i32
        %dma_start3A_484 = tpu.memref_slice %arg8[%dma_start3A_478, %dma_start3A_483] : memref<16x768xf32, #tpu.memory_space<vmem>> -> memref<1x768xf32, #tpu.memory_space<vmem>>
        %dma_start3A_485 = tpu.memref_squeeze %dma_start3A_484 : memref<1x768xf32, #tpu.memory_space<vmem>> -> memref<768xf32, #tpu.memory_space<vmem>>
        %dma_start3A_486 = tpu.memref_slice %arg5[%mul3A_477] : memref<443136xf32, #tpu.memory_space<vmem_shared>> -> memref<768xf32, #tpu.memory_space<vmem_shared>>
        tpu.enqueue_dma source(%dma_start3A_486 : memref<768xf32, #tpu.memory_space<vmem_shared>>) target(%dma_start3A_485 : memref<768xf32, #tpu.memory_space<vmem>>) target_semaphore(%arg10 : memref<!tpu.dma_semaphore, #tpu.memory_space<semaphore_mem>>)
        %slice3A_487 = vector.extract_strided_slice %get3A_291 {offsets = [15], sizes = [1], strides = [1]} : vector<16xi32> to vector<1xi32>
        %squeeze3A_488 = vector.extract %slice3A_487[0] : i32 from vector<1xi32>
        %mul3A_489 = arith.constant 768 : i32
        %mul3A_490 = arith.muli %squeeze3A_488, %mul3A_489 : i32
        %dma_start3A_491 = arith.constant 15 : i32
        %dma_start3A_492 = arith.constant 0 : i32
        %dma_start3A_493 = tpu.memref_slice %arg8[%dma_start3A_491, %dma_start3A_492] : memref<16x768xf32, #tpu.memory_space<vmem>> -> memref<1x768xf32, #tpu.memory_space<vmem>>
        %dma_start3A_494 = tpu.memref_squeeze %dma_start3A_493 : memref<1x768xf32, #tpu.memory_space<vmem>> -> memref<768xf32, #tpu.memory_space<vmem>>
        %dma_start3A_495 = tpu.memref_slice %arg5[%mul3A_490] : memref<443136xf32, #tpu.memory_space<vmem_shared>> -> memref<768xf32, #tpu.memory_space<vmem_shared>>
        %dma_start3A_496 = arith.constant 0 : i32
        %dma_start3A_497 = tpu.memref_slice %arg8[%dma_start3A_491, %dma_start3A_496] : memref<16x768xf32, #tpu.memory_space<vmem>> -> memref<1x768xf32, #tpu.memory_space<vmem>>
        %dma_start3A_498 = tpu.memref_squeeze %dma_start3A_497 : memref<1x768xf32, #tpu.memory_space<vmem>> -> memref<768xf32, #tpu.memory_space<vmem>>
        %dma_start3A_499 = tpu.memref_slice %arg5[%mul3A_490] : memref<443136xf32, #tpu.memory_space<vmem_shared>> -> memref<768xf32, #tpu.memory_space<vmem_shared>>
        tpu.enqueue_dma source(%dma_start3A_499 : memref<768xf32, #tpu.memory_space<vmem_shared>>) target(%dma_start3A_498 : memref<768xf32, #tpu.memory_space<vmem>>) target_semaphore(%arg10 : memref<!tpu.dma_semaphore, #tpu.memory_space<semaphore_mem>>)
      } else {
      }
      %dma_wait3A_271 = arith.constant 0 : i32
      %dma_wait3A_272 = tpu.memref_slice %arg4[%mul3A_2, %dma_wait3A_271] : memref<131072x768xf32, #tpu.memory_space<hbm>> -> memref<16x768xf32, #tpu.memory_space<hbm>>
      %dma_wait3A_273 = arith.constant 0 : i32
      %dma_wait3A_274 = tpu.memref_slice %arg4[%mul3A_2, %dma_wait3A_273] : memref<131072x768xf32, #tpu.memory_space<hbm>> -> memref<16x768xf32, #tpu.memory_space<hbm>>
      tpu.wait_dma2 semaphore(%arg11 : memref<!tpu.dma_semaphore, #tpu.memory_space<semaphore_mem>>) src(%dma_wait3A_274 : memref<16x768xf32, #tpu.memory_space<hbm>>) dst(%arg9 : memref<16x768xf32, #tpu.memory_space<vmem>>)
      %mul3A_275 = arith.constant 16 : i32
      %mul3A_276 = arith.muli %add3A_263, %mul3A_275 : i32
      %add3A_277 = arith.addi %mul3A_2, %mul3A_276 : i32
      %dma_start3A_278 = arith.constant 0 : i32
      %dma_start3A_279 = tpu.memref_slice %arg4[%add3A_277, %dma_start3A_278] : memref<131072x768xf32, #tpu.memory_space<hbm>> -> memref<16x768xf32, #tpu.memory_space<hbm>>
      %dma_start3A_280 = arith.constant 0 : i32
      %dma_start3A_281 = tpu.memref_slice %arg4[%add3A_277, %dma_start3A_280] : memref<131072x768xf32, #tpu.memory_space<hbm>> -> memref<16x768xf32, #tpu.memory_space<hbm>>
      tpu.enqueue_dma source(%arg9 : memref<16x768xf32, #tpu.memory_space<vmem>>) target(%dma_start3A_281 : memref<16x768xf32, #tpu.memory_space<hbm>>) target_semaphore(%arg13 : memref<!tpu.dma_semaphore, #tpu.memory_space<semaphore_mem>>)
    }
    %scan3A_226 = arith.constant 128 : i32
    %add3A_227 = arith.constant 4064 : i32
    %add3A_228 = arith.addi %mul3A_2, %add3A_227 : i32
    %dma_wait3A = arith.constant 0 : i32
    %dma_wait3A_229 = tpu.memref_slice %arg4[%add3A_228, %dma_wait3A] : memref<131072x768xf32, #tpu.memory_space<hbm>> -> memref<16x768xf32, #tpu.memory_space<hbm>>
    %dma_wait3A_230 = arith.constant 0 : i32
    %dma_wait3A_231 = tpu.memref_slice %arg4[%add3A_228, %dma_wait3A_230] : memref<131072x768xf32, #tpu.memory_space<hbm>> -> memref<16x768xf32, #tpu.memory_space<hbm>>
    tpu.wait_dma2 semaphore(%arg12 : memref<!tpu.dma_semaphore, #tpu.memory_space<semaphore_mem>>) src(%arg8 : memref<16x768xf32, #tpu.memory_space<vmem>>) dst(%dma_wait3A_231 : memref<16x768xf32, #tpu.memory_space<hbm>>)
    %add3A_232 = arith.constant 4080 : i32
    %add3A_233 = arith.addi %mul3A_2, %add3A_232 : i32
    %dma_wait3A_234 = arith.constant 0 : i32
    %dma_wait3A_235 = tpu.memref_slice %arg4[%add3A_233, %dma_wait3A_234] : memref<131072x768xf32, #tpu.memory_space<hbm>> -> memref<16x768xf32, #tpu.memory_space<hbm>>
    %dma_wait3A_236 = arith.constant 0 : i32
    %dma_wait3A_237 = tpu.memref_slice %arg4[%add3A_233, %dma_wait3A_236] : memref<131072x768xf32, #tpu.memory_space<hbm>> -> memref<16x768xf32, #tpu.memory_space<hbm>>
    tpu.wait_dma2 semaphore(%arg13 : memref<!tpu.dma_semaphore, #tpu.memory_space<semaphore_mem>>) src(%arg9 : memref<16x768xf32, #tpu.memory_space<vmem>>) dst(%dma_wait3A_237 : memref<16x768xf32, #tpu.memory_space<hbm>>)
    return
  }
}

</mosaic_0001>

<sc_bundles>
// kernel: _sc_embed.3.cloned.1.call-start
scs
__scs_entry_jumppad:
0x0: {  	(pc) =	sbr.rel $0x88, $3  }
0x1: {  	(tag) =	ssettag $0x0;
	lr =	simm.s32 $0x1  }
0x2: {  	[smem:$0x3F9F] =	sst lr;
	_ =	strace $0xD0000000  }
0x3: {  	_ = 	snop  }
0x4: {  	_ = 	snop  }
0x5: {  	_ = 	snop  }
0x6: {  	_ = 	snop  }
0x7: {  	_ = 	snop  }
__scs_overlays_trampoline_lowered:
0x8: {  	[smem:$0x3FAE] =	sst s0  }
0x9: {  	[smem:$0x3FAF] =	sst s1  }
0xa: {  	[smem:$0x3FB0] =	sst s2  }
0xb: {  	[smem:$0x3FB1] =	sst s3  }
0xc: {  	[smem:$0x3FB2] =	sst s4  }
0xd: {  	[smem:$0x3FB3] =	sst s5  }
0xe: {  	[smem:$0x3FB4] =	sst s6  }
0xf: {  	[smem:$0x3FB5] =	sst s7  }
0x10: {  	[smem:$0x3FB6] =	sst s8  }
0x11: {  	[smem:$0x3FB7] =	sst s9;
	s0 =	simm.s32 @!p0 $0x0  }
0x12: {  	s1 =	sld [smem:$0x3F9D];
	s0 =	simm.s32 @p0 $0x1  }
0x13: {  	[smem:$0x3FB8] =	sst s0;
	s0 =	simm.s32 @!p1 $0x0  }
0x14: {  	s2 =	sld [smem:$0x3F9C];
	s0 =	simm.s32 @p1 $0x1  }
0x15: {  	[smem:$0x3FB9] =	sst s0;
	s0 =	simm.s32 @!p2 $0x0  }
0x16: {  	s3 =	sld [smem:$0x3FDB];
	s0 =	simm.s32 @p2 $0x1  }
0x17: {  	s4 =	simm.s32 $0x1BF5;
	[smem:$0x3FBB] =	sst s0  }
0x18: {  	s0 =	sld [smem:$0x3F9E];
	_ =	swait.ge [sflag:s4], $0x0  }
0x19: {  	s7 =	sld [smem:$0x3F9F]  }
0x1a: {  	s8 =	sadd.s32 $0xFFFFE003, lr  }
0x1b: {  	s9 =	sadd.s32 $0xFFFFFEF7, lr;
	s5 =	simm.s32 $0xFFFFFFFF;
	p2 =	slt.u32 s8, $0xFFFFF086  }
0x1c: {  	p1 =	slt.u32 s9, $0xF7A;
	s5 =	simm.s32 @!p2 $0x0  }
0x1d: {  	s5 =	simm.s32 @p1 $0x1;
	p0 =	seq.s32 s7, s2  }
0x1e: {  	s7 =	smul.u32 @!p0 $0xF7A, s2;
	p2 =	seq.s32 @!p0 s5, $0x0  }
0x1f: {  	s9 =	smul.u32 $0xF7A, s1;
	s8 =	simm.s32 @!p0 $0x1BF5;
	p2 =	por !p2, p0  }
0x20: {  	[sflag:s8] =	ssyncset.s32 @!p0 $0xFFFFF086;
	s6 =	sadd.s32 @!p0 s3, s7;
	s7 =	simm.s32 @!p0 $0x108  }
0x21: {  	s3 =	sadd.s32 s3, s9;
	s6 =	sadd.s32 @!p0 $0x88, s6;
	s7 =	simm.s32 @p2 $0x1082  }
0x22: {  	[simem:s7], [sflag:s8] =	dma.local @!p0 [hbm:s6], $0xF7A  }
0x23: {  	s9 =	sor.u32 $0xD0000000, s2;
	s6 =	simm.s32 $0x108;
	_ =	swait.ge @!p0 [sflag:s8], $0x0  }
0x24: {  	s3 =	sadd.s32 $0x88, s3;
	s6 =	simm.s32 @!p1 $0x1082;
	[sflag:s4] =	ssyncset.s32 $0xFFFFF086  }
0x25: {  	[simem:s6], [sflag:s4] =	dma.local [hbm:s3], $0xF7A  }
0x26: {  	[smem:$0x3F9F] =	sst s1;
	(tag) =	ssettag s2;
	_ =	strace s9  }
0x27: {  	s1 =	sld [smem:$0x3FAF]  }
0x28: {  	s2 =	sld [smem:$0x3FB0]  }
0x29: {  	s4 =	sld [smem:$0x3FB2]  }
0x2a: {  	p0 =	seq.s32 s5, $0x0;
	s5 =	sld [smem:$0x3FB3]  }
0x2b: {  	s6 =	sld [smem:$0x3FB4]  }
0x2c: {  	s7 =	sld [smem:$0x3FB5]  }
0x2d: {  	s3 =	simm.s32 $0x108;
	s8 =	sld [smem:$0x3FB6]  }
0x2e: {  	s3 =	simm.s32 @!p0 $0x1082;
	s9 =	sld [smem:$0x3FB7]  }
0x2f: {  	lr =	sadd.s32 s0, s3;
	s0 =	sld [smem:$0x3FAE]  }
0x30: {  	s3 =	sld [smem:$0x3FB1]  }
0x31: {  	[smem:$0x3FBA] =	sst s10  }
0x32: {  	s10 =	sld [smem:$0x3FB8];
	_ =	sdelay $0x3  }
0x33: {  	p0 =	seq.s32 s10, $0x1;
	s10 =	sld [smem:$0x3FBA];
	_ =	sdelay $0x3  }
0x34: {  	[smem:$0x3FBA] =	sst s10  }
0x35: {  	s10 =	sld [smem:$0x3FB9];
	_ =	sdelay $0x3  }
0x36: {  	p1 =	seq.s32 s10, $0x1;
	s10 =	sld [smem:$0x3FBA];
	_ =	sdelay $0x3  }
0x37: {  	[smem:$0x3FBA] =	sst s10  }
0x38: {  	s10 =	sld [smem:$0x3FBB]  }
0x39: {  	_ = 	snop;
	(pc) =	sbr.ind lr, $3  }
0x3a: {  	_ = 	snop  }
0x3b: {  	_ = 	snop  }
0x3c: {  	p2 =	seq.s32 s10, $0x1;
	s10 =	sld [smem:$0x3FBA]  }
0x3d: {  	_ =	shalt  }
0x3e: {  	_ =	shalt  }
0x3f: {  	_ =	shalt  }
0x40: {  	_ =	shalt  }
0x41: {  	_ =	shalt  }
0x42: {  	_ =	shalt  }
0x43: {  	_ =	shalt  }
0x44: {  	_ =	shalt  }
0x45: {  	_ =	shalt  }
0x46: {  	_ =	shalt  }
0x47: {  	_ =	shalt  }
0x48: {  	_ =	shalt  }
0x49: {  	_ =	shalt  }
0x4a: {  	_ =	shalt  }
0x4b: {  	_ =	shalt  }
0x4c: {  	_ =	shalt  }
0x4d: {  	_ =	shalt  }
0x4e: {  	_ =	shalt  }
0x4f: {  	_ =	shalt  }
0x50: {  	_ =	shalt  }
0x51: {  	_ =	shalt  }
0x52: {  	_ =	shalt  }
0x53: {  	_ =	shalt  }
0x54: {  	_ =	shalt  }
0x55: {  	_ =	shalt  }
0x56: {  	_ =	shalt  }
0x57: {  	_ =	shalt  }
0x58: {  	_ =	shalt  }
0x59: {  	_ =	shalt  }
0x5a: {  	_ =	shalt  }
0x5b: {  	_ =	shalt  }
0x5c: {  	_ =	shalt  }
0x5d: {  	_ =	shalt  }
0x5e: {  	_ =	shalt  }
0x5f: {  	_ =	shalt  }
0x60: {  	_ =	shalt  }
0x61: {  	_ =	shalt  }
0x62: {  	_ =	shalt  }
0x63: {  	_ =	shalt  }
0x64: {  	_ =	shalt  }
0x65: {  	_ =	shalt  }
0x66: {  	_ =	shalt  }
0x67: {  	_ =	shalt  }
0x68: {  	_ =	shalt  }
0x69: {  	_ =	shalt  }
0x6a: {  	_ =	shalt  }
0x6b: {  	_ =	shalt  }
0x6c: {  	_ =	shalt  }
0x6d: {  	_ =	shalt  }
0x6e: {  	_ =	shalt  }
0x6f: {  	_ =	shalt  }
0x70: {  	_ =	shalt  }
0x71: {  	_ =	shalt  }
0x72: {  	_ =	shalt  }
0x73: {  	_ =	shalt  }
0x74: {  	_ =	shalt  }
0x75: {  	_ =	shalt  }
0x76: {  	_ =	shalt  }
0x77: {  	_ =	shalt  }
0x78: {  	_ =	shalt  }
0x79: {  	_ =	shalt  }
0x7a: {  	_ =	shalt  }
0x7b: {  	_ =	shalt  }
0x7c: {  	_ =	shalt  }
0x7d: {  	_ =	shalt  }
0x7e: {  	_ =	shalt  }
0x7f: {  	_ =	shalt  }
0x80: {  	_ =	shalt  }
0x81: {  	_ =	shalt  }
0x82: {  	_ =	shalt  }
0x83: {  	_ =	shalt  }
0x84: {  	_ =	shalt  }
0x85: {  	_ =	shalt  }
0x86: {  	_ =	shalt  }
0x87: {  	_ =	shalt  }
.Lfunc_end0:
.L_simem_size_0:
called_computation_lowered:
.L_overlay_start_0:
0x88: {  	s2 =	sld [smem:$0x3FD9]  }
0x89: {  	s3 =	sld [smem:$0x3FFE];
	_ =	sdelay $0x1  }
0x8a: {  	s1 =	srdreg.scid  }
0x8b: {  	s0 =	sand.u32 $0x1, s1  }
0x8c: {  	s18 =	sshll.u32 s0, $0xA;
	s2 =	sadd.s32 s3, s2  }
0x8d: {  	s2 =	sadd.s32 s2, s18  }
0x8e: {  	[smem:$0x3FC6] =	sst s2  }
0x8f: {  	_ = 	snop  }
0x90: {  	s2 =	sld [smem:$0x3FC9]  }
0x91: {  	s19 =	sld [smem:$0x3FC8]  }
0x92: {  	s4 =	sld [smem:$0x3FD0];
	(tm) =	ssettm $0x1  }
0x93: {  	s5 =	sld [smem:$0x3FFB];
	_ =	sdelay $0x3  }
0x94: {  	_ =	strace s5  }
0x95: {  	s5 =	sld [smem:$0x3FFC];
	_ =	sdelay $0x3  }
0x96: {  	_ =	strace s5  }
0x97: {  	s5 =	sld [smem:$0x3FFD];
	_ =	sdelay $0x3  }
0x98: {  	_ =	strace s5  }
0x99: {  	_ =	strace $0x8FFFFFFF  }
0x9a: {  	s20 =	sld [smem:$0x3FDB];
	_ =	sdelay $0x1  }
0x9b: {  	s6 =	simm.s32 $_scs_section_size  }
0x9c: {  	s7 =	simm.s32 $_size__tile_overlayer_lowered;
	s8 =	simm.s32 $_tile_overlayer_lowered  }
0x9d: {  	s23 =	simm.s32 $0x1BFF;
	s22 =	sshll.u32 s8, $0x1;
	s5 =	sadd.s32 s6, s20  }
0x9e: {  	s9 =	simm.s32 $0x0;
	s21 =	sshll.u32 s7, $0x1;
	s7 =	sadd.s32 s22, s5  }
0x9f: {  	[timem:s9], [sflag:s23] =	dma.local [hbm:s7], s21  }
0xa0: {  	_ =	swait.ge [sflag:s23], s21  }
0xa1: {  	s6 =	ssub.s32 $0x0, s21;
	[sflag:s23] =	ssyncset.done $0x0  }
0xa2: {  	[sflag:s23] =	ssyncadd.s32 s6;
	_ =	sdelay $0x1  }
0xa3: {  	s24 =	simm.s32 $0x1B8B  }
0xa4: {  	_ =	swait.ge [sflag:s24], $0x1  }
0xa5: {  	[sflag:s24] =	ssyncset.done $0x0  }
0xa6: {  	s25 =	simm.s32 $0x1B8E;
	[sflag:s24] =	ssyncadd.s32 $0xFFFFFFFF  }
0xa7: {  	s26 =	simm.s32 $execute0_lowered;
	[smem:$0x3FD2] =	sst s25  }
0xa8: {  	s6 =	sshll.u32 s26, $0x1;
	_ =	strace $0x80000046;
	[dreg:$0x1] =	wrdreg $0xFFFFFFFF  }
0xa9: {  	s28 =	simm.s32 $_size_execute0_lowered;
	s5 =	sadd.s32 s5, s6;
	[dreg:$0x0] =	wrdreg $0x0  }
0xaa: {  	s6 =	sshll.u32 s28, $0x1;
	[dreg:$0x2] =	wrdreg s5  }
0xab: {  	[dreg:$0x3] =	wrdreg s6  }
0xac: {  	[dreg:$0x4] =	wrdreg $0xC0  }
0xad: {  	_ =	task [dreg:s9], $0x5FFFF  }
0xae: {  	[dreg:$0x1] =	wrdreg $0xFFFFFFFF  }
0xaf: {  	[dreg:$0x0] =	wrdreg $0x60  }
0xb0: {  	[dreg:$0x2] =	wrdreg s2  }
0xb1: {  	[dreg:$0x3] =	wrdreg s19  }
0xb2: {  	[dreg:$0x4] =	wrdreg s4  }
0xb3: {  	[dreg:$0x5] =	wrdreg $0x0  }
0xb4: {  	[dreg:$0x6] =	wrdreg $0x9  }
0xb5: {  	_ =	task.clear_ibuf [dreg:s9], $0x7FFFF;
	_ =	strace $0x90000046  }
0xb6: {  	s29 =	simm.s32 $0x9;
	_ =	strace $0x80000048  }
0xb7: {  	_ =	swait.ge [sflag:s29], $0x1  }
0xb8: {  	[sflag:s29] =	ssyncadd.s32 $0xFFFFFFFF  }
0xb9: {  	_ =	strace $0x90000048  }
0xba: {  	_ =	sfence  }
0xbb: {  	s30 =	sld [smem:$0x0];
	_ =	sdelay $0x2  }
0xbc: {  	s31 =	sshll.u32 s1, $0xD;
	s1 =	sshrl.u32 s1, $0x2  }
0xbd: {  	s3 =	sand.u32 $0x4000, s31;
	s1 =	sadd.s32 s1, s30  }
0xbe: {  	s0 =	sor.u32 s3, s0;
	s1 =	sshll.u32 s1, $0x11  }
0xbf: {  	s0 =	sor.u32 s1, s0  }
0xc0: {  	s0 =	sadd.s32 $0x8F2B, s0  }
0xc1: {  	[sflag:s0] =	ssyncadd.remote.s32 $0x1  }
0xc2: {  	_ =	sfence.sel $0xFFFF  }
0xc3: {  	[dreg:$0x0] =	wrdreg $0xFFFFFFFF;
	(pc) =	sbr.abs _section_cstart, $3  }
0xc4: {  	[dreg:$0x1] =	wrdreg $0xFFFFFFFF  }
0xc5: {  	_ =	task.clear_ibuf [dreg:s9], $0x2FFFF;
	_ =	strace $0x9FFFFFFF  }
0xc6: {  	(tm) =	ssettm $0x7FFFFFFF  }
0xc7: {  	_ =	shalt  }
tec
execute0_lowered:
.L_overlay_start_1:
0x0: {  	(tag) =	ssettag $0x1  }
0x1: {  	s0 =	rddreg [dreg:$0x0]  }
0x2: {  	s1 =	rddreg [dreg:$0x2]  }
0x3: {  	s2 =	rddreg [dreg:$0x3];
	s3 =	srdreg.scid  }
0x4: {  	s4 =	stileid.u32;
	s13 =	simm.s32 $0x9C30;
	s11 =	simm.s32 $0xFAB0  }
0x5: {  	s14 =	simm.s32 $0xE730;
	s15 =	simm.s32 $0xEB30;
	s16 =	simm.s32 $0xEF30  }
0x6: {  	s17 =	simm.s32 $0xF330;
	s18 =	simm.s32 $0xF730;
	s19 =	simm.s32 $0xFB30  }
0x7: {  	s20 =	simm.s32 $0xE7B0;
	s21 =	simm.s32 $0xEBB0;
	s22 =	simm.s32 $0xEFB0  }
0x8: {  	s23 =	simm.s32 $0xF3B0;
	s5 =	sand.u32 $0x1, s3;
	s3 =	simm.s32 $0x0  }
0x9: {  	s24 =	simm.s32 $0xF7B0;
	s25 =	simm.s32 $0xFBB0;
	[smem:$0x7FF] =	sst s3  }
0xa: {  	v0 =	vimm.f32 $2.000000950e+00;
	s26 =	simm.s32 $0x1;
	s28 =	simm.s32 $0x2;
	_ =	strace $0x80000047  }
0xb: {  	s29 =	simm.s32 $0x3;
	s12 =	simm.s32 $0x0;
	s6 =	sshll.u32 s4, $0xD;
	(erf) = vrcp.f32 v0  }
0xc: {  	p0 =	sne.s32 s4, $0x0;
	s7 =	sshll.u32 s5, $0xC;
	s5 =	ssub.s32 $0x2, s5  }
0xd: {  	s4 =	simm.s32 $0xF6B0;
	s6 =	sor.u32 s7, s6;
	s8 =	sshrl.u32 s5, $0x1  }
0xe: {  	s7 =	sshrl.u32 s6, $0x3;
	s6 =	sor.u32 $0x10, s6;
	s5 =	ssub.s32 s5, s8  }
0xf: {  	s9 =	smul.u32 $0x300, s7;
	s6 =	sshrl.u32 s6, $0x3;
	s7 =	sadd.s32 s0, s7  }
.Ltmp0:
0x10: {  	s5 =	smax.u32 s5, $0x1;
	[dreg:$0x5] =	wrdreg s7;
	(pc) =	sbr.rel .LBB2_1-.Ltmp0, $4  }
0x11: {  	s0 =	sshrl.u32 @!p0 s2, $0x3;
	s30 =	smul.u32 $0x300, s6;
	[dreg:$0x7] =	wrdreg s5  }
0x12: {  	s31 =	sadd.s32 $0x4000, s7;
	[dreg:$0x8] =	wrdreg s0;
	s0 =	simm.s32 $0xCC30  }
0x13: {  	s5 =	simm.s32 $0xEAB0;
	s6 =	simm.s32 $0xEEB0;
	[dreg:$0x6] =	wrdreg s31  }
0x14: {  	s7 =	sadd.s32 s9, s1;
	s9 =	simm.s32 $0xF2B0;
	s8 =	sadd.s32 s30, s1;
	v0 =	vpop (erf)  }
.LBB2_7:
0x15: {  	_ =	swait.ge [sflag:s29], $0x3000  }
0x16: {  	[sflag:s29] =	ssyncset.done $0x0  }
0x17: {  	s10 =	simm.s32 $0x4;
	[sflag:s29] =	ssyncadd.s32 $0xFFFFD000  }
0x18: {  	_ =	swait.ge [sflag:s10], $0x3000  }
0x19: {  	s12 =	rddreg [dreg:$0x9]  }
0x1a: {  	s1 =	rddreg [dreg:$0x7];
	s12 =	sadd.s32 $0x1, s12  }
0x1b: {  	p1 =	sne.s32 s12, s1  }
.Ltmp1:
0x1c: {  	_ = 	snop;
	(pc) =	sbr.rel @!p1 .LBB2_8-.Ltmp1, $3  }
0x1d: {  	_ =	sdelay $0x1  }
0x1e: {  	[sflag:s10] =	ssyncset.done $0x0  }
0x1f: {  	[sflag:s10] =	ssyncadd.s32 $0xFFFFD000  }
.LBB2_1:
0x20: {  	[dreg:$0x9] =	wrdreg s12  }
0x21: {  	s10 =	rddreg [dreg:$0x1]  }
0x22: {  	s1 =	simm.s32 @!p0 $0x1C05;
	s12 =	rddreg [dreg:$0x8]  }
0x23: {  	[spmem:s12], [sflag:s1] =	dma.local @!p0 [hbm:s10], $0xD860  }
0x24: {  	s1 =	simm.s32 @!p0 $0x5  }
0x25: {  	_ =	swait.ge @!p0 [sflag:s1], $0xD860  }
0x26: {  	[sflag:s1] =	ssyncset.done @!p0 $0x0  }
0x27: {  	s12 =	simm.s32 $0x6C30;
	s10 =	rddreg [dreg:$0x5];
	[sflag:s1] =	ssyncadd.s32 @!p0 $0xFFFF27A0  }
0x28: {  	[tilespmem:s12], [sflag:$0x5] =	stream.linear.gather [hbm4b:s10+s3], $0x1000, $0x38;
	[tilespmem:$0xFC30] =	vst v63  }
0x29: {  	s10 =	simm.s32 $0x5  }
0x2a: {  	_ =	swait.ge [sflag:s10], $0x1000  }
0x2b: {  	[sflag:s10] =	ssyncset.done $0x0  }
0x2c: {  	s12 =	simm.s32 $0x7C30;
	s1 =	rddreg [dreg:$0x6];
	[sflag:s10] =	ssyncadd.s32 $0xFFFFF000  }
0x2d: {  	[tilespmem:s12], [sflag:$0x5] =	stream.linear.gather [hbm4b:s1+s3], $0x1000, $0x38;
	[tilespmem:$0xFC30] =	vst v63  }
0x2e: {  	_ =	swait.ge [sflag:s10], $0x1000  }
0x2f: {  	[sflag:s10] =	ssyncset.done $0x0  }
0x30: {  	[sflag:s10] =	ssyncadd.s32 $0xFFFFF000  }
0x31: {  	v1 =	vld [tilespmem:$0x6C30]  }
0x32: {  	v2 =	vld [tilespmem:$0x6C40]  }
0x33: {  	v3 =	vld [tilespmem:$0x7C30]  }
0x34: {  	v4 =	vld [tilespmem:$0x7C40];
	_ =	sdelay $0x2  }
0x35: {  	v1 =	vadd.f32 $1.000000000e+00, v1  }
0x36: {  	v2 =	vadd.f32 $1.000000000e+00, v2;
	v3 =	vadd.f32 $1.000000000e+00, v3  }
0x37: {  	v4 =	vadd.f32 $1.000000000e+00, v4;
	v1 =	vmul.f32 v1, v0  }
0x38: {  	v2 =	vmul.f32 v2, v0;
	v3 =	vmul.f32 v3, v0  }
0x39: {  	v4 =	vmul.f32 v4, v0;
	v1 =	vmul.f32 $2.400000000e+01, v1  }
0x3a: {  	v2 =	vmul.f32 $2.400000000e+01, v2;
	v3 =	vmul.f32 $2.400000000e+01, v3  }
0x3b: {  	v4 =	vmul.f32 $2.400000000e+01, v4;
	v1 =	vtrunc.f32 v1  }
0x3c: {  	v2 =	vtrunc.f32 v2;
	v1 =	vcvt.f32.s32 v1  }
0x3d: {  	v3 =	vtrunc.f32 v3;
	v2 =	vcvt.f32.s32 v2  }
0x3e: {  	v4 =	vtrunc.f32 v4;
	v3 =	vcvt.f32.s32 v3;
	v1 =	vmul.u32 $0x18, v1  }
0x3f: {  	v4 =	vcvt.f32.s32 v4;
	v2 =	vmul.u32 $0x18, v2  }
0x40: {  	v1 =	vadd.s32 v3, v1  }
0x41: {  	[tilespmem:$0x8C30] =	vst v1;
	v1 =	vadd.s32 v4, v2  }
0x42: {  	[tilespmem:$0x8C40] =	vst v1  }
0x43: {  	[bflag:$0x0] =	sbarrier.arrive $0xFFFF  }
0x44: {  	v1 =	vld [tilespmem:$0x8C30];
	_ =	sdelay $0x4  }
0x45: {  	v1 =	vmul.u32 $0xC00, v1;
	_ =	sdelay $0x1  }
0x46: {  	v1 =	vshra.s32 v1, $0x2  }
0x47: {  	v1 =	vadd.s32 s2, v1  }
0x48: {  	(v2sf) =	vpush v1, $0x0;
	_ =	sdelay $0xb  }
0x49: {  	(v2sf) =	vpush v1, $0x1;
	_ =	sdelay $0x2  }
0x4a: {  	s1 =	spop (v2sf)  }
0x4b: {  	[tilespmem:s13], [sflag:$0x1] =	stream.linear.gather [spmem:s1], $0x80, $0x38;
	[tilespmem:$0xFC30] =	vst v63  }
0x4c: {  	s30 =	simm.s32 $0xA030;
	s12 =	sadd.s32 $0x80, s1  }
0x4d: {  	[tilespmem:s30], [sflag:$0x1] =	stream.linear.gather [spmem:s12], $0x80, $0x38;
	[tilespmem:$0xFC30] =	vst v63  }
0x4e: {  	s10 =	sadd.s32 $0x100, s1;
	s12 =	simm.s32 $0xA430  }
0x4f: {  	[tilespmem:s12], [sflag:$0x1] =	stream.linear.gather [spmem:s10], $0x80, $0x38;
	[tilespmem:$0xFC30] =	vst v63  }
0x50: {  	s10 =	sadd.s32 $0x180, s1;
	s12 =	simm.s32 $0xA830  }
0x51: {  	[tilespmem:s12], [sflag:$0x1] =	stream.linear.gather [spmem:s10], $0x80, $0x38;
	[tilespmem:$0xFC30] =	vst v63  }
0x52: {  	s10 =	sadd.s32 $0x200, s1;
	s12 =	simm.s32 $0xAC30  }
0x53: {  	(v2sf) =	vpush v1, $0x2;
	[tilespmem:s12], [sflag:$0x1] =	stream.linear.gather [spmem:s10], $0x80, $0x38;
	[tilespmem:$0xFC30] =	vst v63  }
0x54: {  	s1 =	sadd.s32 $0x280, s1;
	s12 =	simm.s32 $0xB030  }
0x55: {  	[tilespmem:s12], [sflag:$0x1] =	stream.linear.gather [spmem:s1], $0x80, $0x38;
	[tilespmem:$0xFC30] =	vst v63  }
0x56: {  	s1 =	spop (v2sf);
	s12 =	simm.s32 $0x9CB0  }
0x57: {  	[tilespmem:s12], [sflag:$0x1] =	stream.linear.gather [spmem:s1], $0x80, $0x38;
	[tilespmem:$0xFC30] =	vst v63  }
0x58: {  	s10 =	sadd.s32 $0x80, s1;
	s12 =	simm.s32 $0xA0B0  }
0x59: {  	[tilespmem:s12], [sflag:$0x1] =	stream.linear.gather [spmem:s10], $0x80, $0x38;
	[tilespmem:$0xFC30] =	vst v63  }
0x5a: {  	s10 =	sadd.s32 $0x100, s1;
	s12 =	simm.s32 $0xA4B0  }
0x5b: {  	[tilespmem:s12], [sflag:$0x1] =	stream.linear.gather [spmem:s10], $0x80, $0x38;
	[tilespmem:$0xFC30] =	vst v63  }
0x5c: {  	s10 =	sadd.s32 $0x180, s1;
	s12 =	simm.s32 $0xA8B0  }
0x5d: {  	[tilespmem:s12], [sflag:$0x1] =	stream.linear.gather [spmem:s10], $0x80, $0x38;
	[tilespmem:$0xFC30] =	vst v63  }
0x5e: {  	s10 =	sadd.s32 $0x200, s1;
	s12 =	simm.s32 $0xACB0  }
0x5f: {  	(v2sf) =	vpush v1, $0x3;
	[tilespmem:s12], [sflag:$0x1] =	stream.linear.gather [spmem:s10], $0x80, $0x38;
	[tilespmem:$0xFC30] =	vst v63  }
0x60: {  	s1 =	sadd.s32 $0x280, s1;
	s12 =	simm.s32 $0xB0B0  }
0x61: {  	[tilespmem:s12], [sflag:$0x1] =	stream.linear.gather [spmem:s1], $0x80, $0x38;
	[tilespmem:$0xFC30] =	vst v63  }
0x62: {  	s1 =	spop (v2sf);
	s12 =	simm.s32 $0x9D30  }
0x63: {  	[tilespmem:s12], [sflag:$0x1] =	stream.linear.gather [spmem:s1], $0x80, $0x38;
	[tilespmem:$0xFC30] =	vst v63  }
0x64: {  	s10 =	sadd.s32 $0x80, s1;
	s12 =	simm.s32 $0xA130  }
0x65: {  	[tilespmem:s12], [sflag:$0x1] =	stream.linear.gather [spmem:s10], $0x80, $0x38;
	[tilespmem:$0xFC30] =	vst v63  }
0x66: {  	s10 =	sadd.s32 $0x100, s1;
	s12 =	simm.s32 $0xA530  }
0x67: {  	[tilespmem:s12], [sflag:$0x1] =	stream.linear.gather [spmem:s10], $0x80, $0x38;
	[tilespmem:$0xFC30] =	vst v63  }
0x68: {  	s10 =	sadd.s32 $0x180, s1;
	s12 =	simm.s32 $0xA930  }
0x69: {  	[tilespmem:s12], [sflag:$0x1] =	stream.linear.gather [spmem:s10], $0x80, $0x38;
	[tilespmem:$0xFC30] =	vst v63  }
0x6a: {  	s10 =	sadd.s32 $0x200, s1;
	s12 =	simm.s32 $0xAD30  }
0x6b: {  	(v2sf) =	vpush v1, $0x4;
	[tilespmem:s12], [sflag:$0x1] =	stream.linear.gather [spmem:s10], $0x80, $0x38;
	[tilespmem:$0xFC30] =	vst v63  }
0x6c: {  	s1 =	sadd.s32 $0x280, s1;
	s12 =	simm.s32 $0xB130  }
0x6d: {  	[tilespmem:s12], [sflag:$0x1] =	stream.linear.gather [spmem:s1], $0x80, $0x38;
	[tilespmem:$0xFC30] =	vst v63  }
0x6e: {  	s1 =	spop (v2sf);
	s12 =	simm.s32 $0x9DB0  }
0x6f: {  	[tilespmem:s12], [sflag:$0x1] =	stream.linear.gather [spmem:s1], $0x80, $0x38;
	[tilespmem:$0xFC30] =	vst v63  }
0x70: {  	s10 =	sadd.s32 $0x80, s1;
	s12 =	simm.s32 $0xA1B0  }
0x71: {  	[tilespmem:s12], [sflag:$0x1] =	stream.linear.gather [spmem:s10], $0x80, $0x38;
	[tilespmem:$0xFC30] =	vst v63  }
0x72: {  	s10 =	sadd.s32 $0x100, s1;
	s12 =	simm.s32 $0xA5B0  }
0x73: {  	[tilespmem:s12], [sflag:$0x1] =	stream.linear.gather [spmem:s10], $0x80, $0x38;
	[tilespmem:$0xFC30] =	vst v63  }
0x74: {  	s10 =	sadd.s32 $0x180, s1;
	s12 =	simm.s32 $0xA9B0  }
0x75: {  	[tilespmem:s12], [sflag:$0x1] =	stream.linear.gather [spmem:s10], $0x80, $0x38;
	[tilespmem:$0xFC30] =	vst v63  }
0x76: {  	s10 =	sadd.s32 $0x200, s1;
	s12 =	simm.s32 $0xADB0  }
0x77: {  	(v2sf) =	vpush v1, $0x5;
	[tilespmem:s12], [sflag:$0x1] =	stream.linear.gather [spmem:s10], $0x80, $0x38;
	[tilespmem:$0xFC30] =	vst v63  }
0x78: {  	s1 =	sadd.s32 $0x280, s1;
	s12 =	simm.s32 $0xB1B0  }
0x79: {  	[tilespmem:s12], [sflag:$0x1] =	stream.linear.gather [spmem:s1], $0x80, $0x38;
	[tilespmem:$0xFC30] =	vst v63  }
0x7a: {  	s1 =	spop (v2sf);
	s12 =	simm.s32 $0x9E30  }
0x7b: {  	[tilespmem:s12], [sflag:$0x1] =	stream.linear.gather [spmem:s1], $0x80, $0x38;
	[tilespmem:$0xFC30] =	vst v63  }
0x7c: {  	s10 =	sadd.s32 $0x80, s1;
	s12 =	simm.s32 $0xA230  }
0x7d: {  	[tilespmem:s12], [sflag:$0x1] =	stream.linear.gather [spmem:s10], $0x80, $0x38;
	[tilespmem:$0xFC30] =	vst v63  }
0x7e: {  	s10 =	sadd.s32 $0x100, s1;
	s12 =	simm.s32 $0xA630  }
0x7f: {  	[tilespmem:s12], [sflag:$0x1] =	stream.linear.gather [spmem:s10], $0x80, $0x38;
	[tilespmem:$0xFC30] =	vst v63  }
0x80: {  	s10 =	sadd.s32 $0x180, s1;
	s12 =	simm.s32 $0xAA30  }
0x81: {  	[tilespmem:s12], [sflag:$0x1] =	stream.linear.gather [spmem:s10], $0x80, $0x38;
	[tilespmem:$0xFC30] =	vst v63  }
0x82: {  	s10 =	sadd.s32 $0x200, s1;
	s12 =	simm.s32 $0xAE30  }
0x83: {  	(v2sf) =	vpush v1, $0x6;
	[tilespmem:s12], [sflag:$0x1] =	stream.linear.gather [spmem:s10], $0x80, $0x38;
	[tilespmem:$0xFC30] =	vst v63  }
0x84: {  	s1 =	sadd.s32 $0x280, s1;
	s12 =	simm.s32 $0xB230  }
0x85: {  	[tilespmem:s12], [sflag:$0x1] =	stream.linear.gather [spmem:s1], $0x80, $0x38;
	[tilespmem:$0xFC30] =	vst v63  }
0x86: {  	s1 =	spop (v2sf);
	s12 =	simm.s32 $0x9EB0  }
0x87: {  	[tilespmem:s12], [sflag:$0x1] =	stream.linear.gather [spmem:s1], $0x80, $0x38;
	[tilespmem:$0xFC30] =	vst v63  }
0x88: {  	s10 =	sadd.s32 $0x80, s1;
	s12 =	simm.s32 $0xA2B0  }
0x89: {  	[tilespmem:s12], [sflag:$0x1] =	stream.linear.gather [spmem:s10], $0x80, $0x38;
	[tilespmem:$0xFC30] =	vst v63  }
0x8a: {  	s10 =	sadd.s32 $0x100, s1;
	s12 =	simm.s32 $0xA6B0  }
0x8b: {  	[tilespmem:s12], [sflag:$0x1] =	stream.linear.gather [spmem:s10], $0x80, $0x38;
	[tilespmem:$0xFC30] =	vst v63  }
0x8c: {  	s10 =	sadd.s32 $0x180, s1;
	s12 =	simm.s32 $0xAAB0  }
0x8d: {  	[tilespmem:s12], [sflag:$0x1] =	stream.linear.gather [spmem:s10], $0x80, $0x38;
	[tilespmem:$0xFC30] =	vst v63  }
0x8e: {  	s10 =	sadd.s32 $0x200, s1;
	s12 =	simm.s32 $0xAEB0  }
0x8f: {  	(v2sf) =	vpush v1, $0x7;
	[tilespmem:s12], [sflag:$0x1] =	stream.linear.gather [spmem:s10], $0x80, $0x38;
	[tilespmem:$0xFC30] =	vst v63  }
0x90: {  	s1 =	sadd.s32 $0x280, s1;
	s12 =	simm.s32 $0xB2B0  }
0x91: {  	[tilespmem:s12], [sflag:$0x1] =	stream.linear.gather [spmem:s1], $0x80, $0x38;
	[tilespmem:$0xFC30] =	vst v63  }
0x92: {  	s1 =	spop (v2sf);
	s12 =	simm.s32 $0x9F30  }
0x93: {  	[tilespmem:s12], [sflag:$0x1] =	stream.linear.gather [spmem:s1], $0x80, $0x38;
	[tilespmem:$0xFC30] =	vst v63  }
0x94: {  	s10 =	sadd.s32 $0x80, s1;
	s12 =	simm.s32 $0xA330  }
0x95: {  	[tilespmem:s12], [sflag:$0x1] =	stream.linear.gather [spmem:s10], $0x80, $0x38;
	[tilespmem:$0xFC30] =	vst v63  }
0x96: {  	s10 =	sadd.s32 $0x100, s1;
	s12 =	simm.s32 $0xA730  }
0x97: {  	[tilespmem:s12], [sflag:$0x1] =	stream.linear.gather [spmem:s10], $0x80, $0x38;
	[tilespmem:$0xFC30] =	vst v63  }
0x98: {  	s10 =	sadd.s32 $0x180, s1;
	s12 =	simm.s32 $0xAB30  }
0x99: {  	[tilespmem:s12], [sflag:$0x1] =	stream.linear.gather [spmem:s10], $0x80, $0x38;
	[tilespmem:$0xFC30] =	vst v63  }
0x9a: {  	s10 =	sadd.s32 $0x200, s1;
	s12 =	simm.s32 $0xAF30  }
0x9b: {  	(v2sf) =	vpush v1, $0x8;
	[tilespmem:s12], [sflag:$0x1] =	stream.linear.gather [spmem:s10], $0x80, $0x38;
	[tilespmem:$0xFC30] =	vst v63  }
0x9c: {  	s1 =	sadd.s32 $0x280, s1;
	s12 =	simm.s32 $0xB330  }
0x9d: {  	[tilespmem:s12], [sflag:$0x1] =	stream.linear.gather [spmem:s1], $0x80, $0x38;
	[tilespmem:$0xFC30] =	vst v63  }
0x9e: {  	s1 =	spop (v2sf);
	s12 =	simm.s32 $0x9FB0  }
0x9f: {  	[tilespmem:s12], [sflag:$0x1] =	stream.linear.gather [spmem:s1], $0x80, $0x38;
	[tilespmem:$0xFC30] =	vst v63  }
0xa0: {  	s10 =	sadd.s32 $0x80, s1;
	s12 =	simm.s32 $0xA3B0  }
0xa1: {  	[tilespmem:s12], [sflag:$0x1] =	stream.linear.gather [spmem:s10], $0x80, $0x38;
	[tilespmem:$0xFC30] =	vst v63  }
0xa2: {  	s10 =	sadd.s32 $0x100, s1;
	s12 =	simm.s32 $0xA7B0  }
0xa3: {  	[tilespmem:s12], [sflag:$0x1] =	stream.linear.gather [spmem:s10], $0x80, $0x38;
	[tilespmem:$0xFC30] =	vst v63  }
0xa4: {  	s10 =	sadd.s32 $0x180, s1;
	s12 =	simm.s32 $0xABB0  }
0xa5: {  	[tilespmem:s12], [sflag:$0x1] =	stream.linear.gather [spmem:s10], $0x80, $0x38;
	[tilespmem:$0xFC30] =	vst v63  }
0xa6: {  	s10 =	sadd.s32 $0x200, s1;
	s12 =	simm.s32 $0xAFB0  }
0xa7: {  	(v2sf) =	vpush v1, $0x9;
	[tilespmem:s12], [sflag:$0x1] =	stream.linear.gather [spmem:s10], $0x80, $0x38;
	[tilespmem:$0xFC30] =	vst v63  }
0xa8: {  	s1 =	sadd.s32 $0x280, s1;
	s12 =	simm.s32 $0xB3B0  }
0xa9: {  	[tilespmem:s12], [sflag:$0x1] =	stream.linear.gather [spmem:s1], $0x80, $0x38;
	[tilespmem:$0xFC30] =	vst v63  }
0xaa: {  	s1 =	spop (v2sf);
	s12 =	simm.s32 $0xB430  }
0xab: {  	[tilespmem:s12], [sflag:$0x1] =	stream.linear.gather [spmem:s1], $0x80, $0x38;
	[tilespmem:$0xFC30] =	vst v63  }
0xac: {  	s10 =	sadd.s32 $0x80, s1;
	s12 =	simm.s32 $0xB830  }
0xad: {  	[tilespmem:s12], [sflag:$0x1] =	stream.linear.gather [spmem:s10], $0x80, $0x38;
	[tilespmem:$0xFC30] =	vst v63  }
0xae: {  	s10 =	sadd.s32 $0x100, s1;
	s12 =	simm.s32 $0xBC30  }
0xaf: {  	[tilespmem:s12], [sflag:$0x1] =	stream.linear.gather [spmem:s10], $0x80, $0x38;
	[tilespmem:$0xFC30] =	vst v63  }
0xb0: {  	s10 =	sadd.s32 $0x180, s1;
	s12 =	simm.s32 $0xC030  }
0xb1: {  	[tilespmem:s12], [sflag:$0x1] =	stream.linear.gather [spmem:s10], $0x80, $0x38;
	[tilespmem:$0xFC30] =	vst v63  }
0xb2: {  	s10 =	sadd.s32 $0x200, s1;
	s12 =	simm.s32 $0xC430  }
0xb3: {  	(v2sf) =	vpush v1, $0xA;
	[tilespmem:s12], [sflag:$0x1] =	stream.linear.gather [spmem:s10], $0x80, $0x38;
	[tilespmem:$0xFC30] =	vst v63  }
0xb4: {  	s1 =	sadd.s32 $0x280, s1;
	s12 =	simm.s32 $0xC830  }
0xb5: {  	[tilespmem:s12], [sflag:$0x1] =	stream.linear.gather [spmem:s1], $0x80, $0x38;
	[tilespmem:$0xFC30] =	vst v63  }
0xb6: {  	s1 =	spop (v2sf);
	s12 =	simm.s32 $0xB4B0  }
0xb7: {  	[tilespmem:s12], [sflag:$0x1] =	stream.linear.gather [spmem:s1], $0x80, $0x38;
	[tilespmem:$0xFC30] =	vst v63  }
0xb8: {  	s10 =	sadd.s32 $0x80, s1;
	s12 =	simm.s32 $0xB8B0  }
0xb9: {  	[tilespmem:s12], [sflag:$0x1] =	stream.linear.gather [spmem:s10], $0x80, $0x38;
	[tilespmem:$0xFC30] =	vst v63  }
0xba: {  	s10 =	sadd.s32 $0x100, s1;
	s12 =	simm.s32 $0xBCB0  }
0xbb: {  	[tilespmem:s12], [sflag:$0x1] =	stream.linear.gather [spmem:s10], $0x80, $0x38;
	[tilespmem:$0xFC30] =	vst v63  }
0xbc: {  	s10 =	sadd.s32 $0x180, s1;
	s12 =	simm.s32 $0xC0B0  }
0xbd: {  	[tilespmem:s12], [sflag:$0x1] =	stream.linear.gather [spmem:s10], $0x80, $0x38;
	[tilespmem:$0xFC30] =	vst v63  }
0xbe: {  	s10 =	sadd.s32 $0x200, s1;
	s12 =	simm.s32 $0xC4B0  }
0xbf: {  	(v2sf) =	vpush v1, $0xB;
	[tilespmem:s12], [sflag:$0x1] =	stream.linear.gather [spmem:s10], $0x80, $0x38;
	[tilespmem:$0xFC30] =	vst v63  }
0xc0: {  	s1 =	sadd.s32 $0x280, s1;
	s12 =	simm.s32 $0xC8B0  }
0xc1: {  	[tilespmem:s12], [sflag:$0x1] =	stream.linear.gather [spmem:s1], $0x80, $0x38;
	[tilespmem:$0xFC30] =	vst v63  }
0xc2: {  	s1 =	spop (v2sf);
	s12 =	simm.s32 $0xB530  }
0xc3: {  	[tilespmem:s12], [sflag:$0x1] =	stream.linear.gather [spmem:s1], $0x80, $0x38;
	[tilespmem:$0xFC30] =	vst v63  }
0xc4: {  	s10 =	sadd.s32 $0x80, s1;
	s12 =	simm.s32 $0xB930  }
0xc5: {  	[tilespmem:s12], [sflag:$0x1] =	stream.linear.gather [spmem:s10], $0x80, $0x38;
	[tilespmem:$0xFC30] =	vst v63  }
0xc6: {  	s10 =	sadd.s32 $0x100, s1;
	s12 =	simm.s32 $0xBD30  }
0xc7: {  	[tilespmem:s12], [sflag:$0x1] =	stream.linear.gather [spmem:s10], $0x80, $0x38;
	[tilespmem:$0xFC30] =	vst v63  }
0xc8: {  	s10 =	sadd.s32 $0x180, s1;
	s12 =	simm.s32 $0xC130  }
0xc9: {  	[tilespmem:s12], [sflag:$0x1] =	stream.linear.gather [spmem:s10], $0x80, $0x38;
	[tilespmem:$0xFC30] =	vst v63  }
0xca: {  	s10 =	sadd.s32 $0x200, s1;
	s12 =	simm.s32 $0xC530  }
0xcb: {  	(v2sf) =	vpush v1, $0xC;
	[tilespmem:s12], [sflag:$0x1] =	stream.linear.gather [spmem:s10], $0x80, $0x38;
	[tilespmem:$0xFC30] =	vst v63  }
0xcc: {  	s1 =	sadd.s32 $0x280, s1;
	s12 =	simm.s32 $0xC930  }
0xcd: {  	[tilespmem:s12], [sflag:$0x1] =	stream.linear.gather [spmem:s1], $0x80, $0x38;
	[tilespmem:$0xFC30] =	vst v63  }
0xce: {  	s1 =	spop (v2sf);
	s12 =	simm.s32 $0xB5B0  }
0xcf: {  	[tilespmem:s12], [sflag:$0x1] =	stream.linear.gather [spmem:s1], $0x80, $0x38;
	[tilespmem:$0xFC30] =	vst v63  }
0xd0: {  	s10 =	sadd.s32 $0x80, s1;
	s12 =	simm.s32 $0xB9B0  }
0xd1: {  	[tilespmem:s12], [sflag:$0x1] =	stream.linear.gather [spmem:s10], $0x80, $0x38;
	[tilespmem:$0xFC30] =	vst v63  }
0xd2: {  	s10 =	sadd.s32 $0x100, s1;
	s12 =	simm.s32 $0xBDB0  }
0xd3: {  	[tilespmem:s12], [sflag:$0x1] =	stream.linear.gather [spmem:s10], $0x80, $0x38;
	[tilespmem:$0xFC30] =	vst v63  }
0xd4: {  	s10 =	sadd.s32 $0x180, s1;
	s12 =	simm.s32 $0xC1B0  }
0xd5: {  	[tilespmem:s12], [sflag:$0x1] =	stream.linear.gather [spmem:s10], $0x80, $0x38;
	[tilespmem:$0xFC30] =	vst v63  }
0xd6: {  	s10 =	sadd.s32 $0x200, s1;
	s12 =	simm.s32 $0xC5B0  }
0xd7: {  	(v2sf) =	vpush v1, $0xD;
	[tilespmem:s12], [sflag:$0x1] =	stream.linear.gather [spmem:s10], $0x80, $0x38;
	[tilespmem:$0xFC30] =	vst v63  }
0xd8: {  	s1 =	sadd.s32 $0x280, s1;
	s12 =	simm.s32 $0xC9B0  }
0xd9: {  	[tilespmem:s12], [sflag:$0x1] =	stream.linear.gather [spmem:s1], $0x80, $0x38;
	[tilespmem:$0xFC30] =	vst v63  }
0xda: {  	s1 =	spop (v2sf);
	s12 =	simm.s32 $0xB630  }
0xdb: {  	[tilespmem:s12], [sflag:$0x1] =	stream.linear.gather [spmem:s1], $0x80, $0x38;
	[tilespmem:$0xFC30] =	vst v63  }
0xdc: {  	s10 =	sadd.s32 $0x80, s1;
	s12 =	simm.s32 $0xBA30  }
0xdd: {  	[tilespmem:s12], [sflag:$0x1] =	stream.linear.gather [spmem:s10], $0x80, $0x38;
	[tilespmem:$0xFC30] =	vst v63  }
0xde: {  	s10 =	sadd.s32 $0x100, s1;
	s12 =	simm.s32 $0xBE30  }
0xdf: {  	[tilespmem:s12], [sflag:$0x1] =	stream.linear.gather [spmem:s10], $0x80, $0x38;
	[tilespmem:$0xFC30] =	vst v63  }
0xe0: {  	s10 =	sadd.s32 $0x180, s1;
	s12 =	simm.s32 $0xC230  }
0xe1: {  	[tilespmem:s12], [sflag:$0x1] =	stream.linear.gather [spmem:s10], $0x80, $0x38;
	[tilespmem:$0xFC30] =	vst v63  }
0xe2: {  	s10 =	sadd.s32 $0x200, s1;
	s12 =	simm.s32 $0xC630  }
0xe3: {  	(v2sf) =	vpush v1, $0xE;
	[tilespmem:s12], [sflag:$0x1] =	stream.linear.gather [spmem:s10], $0x80, $0x38;
	[tilespmem:$0xFC30] =	vst v63  }
0xe4: {  	s1 =	sadd.s32 $0x280, s1;
	s12 =	simm.s32 $0xCA30  }
0xe5: {  	[tilespmem:s12], [sflag:$0x1] =	stream.linear.gather [spmem:s1], $0x80, $0x38;
	[tilespmem:$0xFC30] =	vst v63  }
0xe6: {  	s1 =	spop (v2sf);
	s12 =	simm.s32 $0xB6B0  }
0xe7: {  	[tilespmem:s12], [sflag:$0x1] =	stream.linear.gather [spmem:s1], $0x80, $0x38;
	[tilespmem:$0xFC30] =	vst v63  }
0xe8: {  	s10 =	sadd.s32 $0x80, s1;
	s12 =	simm.s32 $0xBAB0  }
0xe9: {  	[tilespmem:s12], [sflag:$0x1] =	stream.linear.gather [spmem:s10], $0x80, $0x38;
	[tilespmem:$0xFC30] =	vst v63  }
0xea: {  	s10 =	sadd.s32 $0x100, s1;
	s12 =	simm.s32 $0xBEB0  }
0xeb: {  	[tilespmem:s12], [sflag:$0x1] =	stream.linear.gather [spmem:s10], $0x80, $0x38;
	[tilespmem:$0xFC30] =	vst v63  }
0xec: {  	s10 =	sadd.s32 $0x180, s1;
	s12 =	simm.s32 $0xC2B0  }
0xed: {  	[tilespmem:s12], [sflag:$0x1] =	stream.linear.gather [spmem:s10], $0x80, $0x38;
	[tilespmem:$0xFC30] =	vst v63  }
0xee: {  	s10 =	sadd.s32 $0x200, s1;
	s12 =	simm.s32 $0xC6B0  }
0xef: {  	(v2sf) =	vpush v1, $0xF;
	[tilespmem:s12], [sflag:$0x1] =	stream.linear.gather [spmem:s10], $0x80, $0x38;
	[tilespmem:$0xFC30] =	vst v63  }
0xf0: {  	s1 =	sadd.s32 $0x280, s1;
	s12 =	simm.s32 $0xCAB0  }
0xf1: {  	[tilespmem:s12], [sflag:$0x1] =	stream.linear.gather [spmem:s1], $0x80, $0x38;
	[tilespmem:$0xFC30] =	vst v63  }
0xf2: {  	s1 =	spop (v2sf);
	s12 =	simm.s32 $0xB730  }
0xf3: {  	[tilespmem:s12], [sflag:$0x1] =	stream.linear.gather [spmem:s1], $0x80, $0x38;
	[tilespmem:$0xFC30] =	vst v63  }
0xf4: {  	s10 =	sadd.s32 $0x80, s1;
	s12 =	simm.s32 $0xBB30  }
0xf5: {  	[tilespmem:s12], [sflag:$0x1] =	stream.linear.gather [spmem:s10], $0x80, $0x38;
	[tilespmem:$0xFC30] =	vst v63  }
0xf6: {  	s10 =	sadd.s32 $0x100, s1;
	s12 =	simm.s32 $0xBF30  }
0xf7: {  	[tilespmem:s12], [sflag:$0x1] =	stream.linear.gather [spmem:s10], $0x80, $0x38;
	[tilespmem:$0xFC30] =	vst v63  }
0xf8: {  	s10 =	sadd.s32 $0x180, s1;
	s12 =	simm.s32 $0xC330  }
0xf9: {  	[tilespmem:s12], [sflag:$0x1] =	stream.linear.gather [spmem:s10], $0x80, $0x38;
	[tilespmem:$0xFC30] =	vst v63  }
0xfa: {  	s10 =	sadd.s32 $0x200, s1;
	s12 =	simm.s32 $0xC730  }
0xfb: {  	[tilespmem:s12], [sflag:$0x1] =	stream.linear.gather [spmem:s10], $0x80, $0x38;
	[tilespmem:$0xFC30] =	vst v63  }
0xfc: {  	s1 =	sadd.s32 $0x280, s1;
	s12 =	simm.s32 $0xCB30  }
0xfd: {  	[tilespmem:s12], [sflag:$0x1] =	stream.linear.gather [spmem:s1], $0x80, $0x38;
	[tilespmem:$0xFC30] =	vst v63  }
0xfe: {  	s1 =	spop (v2sf);
	s12 =	simm.s32 $0xB7B0  }
0xff: {  	[tilespmem:s12], [sflag:$0x1] =	stream.linear.gather [spmem:s1], $0x80, $0x38;
	[tilespmem:$0xFC30] =	vst v63  }
0x100: {  	s10 =	sadd.s32 $0x80, s1;
	s12 =	simm.s32 $0xBBB0  }
0x101: {  	[tilespmem:s12], [sflag:$0x1] =	stream.linear.gather [spmem:s10], $0x80, $0x38;
	[tilespmem:$0xFC30] =	vst v63  }
0x102: {  	s10 =	sadd.s32 $0x100, s1;
	s12 =	simm.s32 $0xBFB0  }
0x103: {  	[tilespmem:s12], [sflag:$0x1] =	stream.linear.gather [spmem:s10], $0x80, $0x38;
	[tilespmem:$0xFC30] =	vst v63  }
0x104: {  	s10 =	sadd.s32 $0x180, s1;
	s12 =	simm.s32 $0xC3B0  }
0x105: {  	[tilespmem:s12], [sflag:$0x1] =	stream.linear.gather [spmem:s10], $0x80, $0x38;
	[tilespmem:$0xFC30] =	vst v63  }
0x106: {  	s10 =	sadd.s32 $0x200, s1;
	s12 =	simm.s32 $0xC7B0  }
0x107: {  	[tilespmem:s12], [sflag:$0x1] =	stream.linear.gather [spmem:s10], $0x80, $0x38;
	[tilespmem:$0xFC30] =	vst v63  }
0x108: {  	s31 =	simm.s32 $0x0;
	s1 =	sadd.s32 $0x280, s1;
	s12 =	simm.s32 $0xCBB0  }
0x109: {  	[tilespmem:s12], [sflag:$0x1] =	stream.linear.gather [spmem:s1], $0x80, $0x38;
	[tilespmem:$0xFC30] =	vst v63  }
0x10a: {  	v1 =	vld [tilespmem:s31+$0x6C50]  }
0x10b: {  	v2 =	vld [tilespmem:s31+$0x7C50];
	_ =	sdelay $0x4  }
0x10c: {  	s30 =	simm.s32 $0x10;
	v1 =	vadd.f32 $1.000000000e+00, v1;
	v2 =	vadd.f32 $1.000000000e+00, v2  }
0x10d: {  	v3 =	vld [tilespmem:s30+$0x6C50]  }
0x10e: {  	v1 =	vmul.f32 v1, v0;
	v2 =	vmul.f32 v2, v0  }
0x10f: {  	v4 =	vld [tilespmem:s30+$0x7C50]  }
0x110: {  	v1 =	vmul.f32 $2.400000000e+01, v1;
	v2 =	vmul.f32 $2.400000000e+01, v2;
	_ =	sdelay $0x1  }
0x111: {  	s1 =	simm.s32 $0x20;
	v3 =	vadd.f32 $1.000000000e+00, v3;
	v1 =	vtrunc.f32 v1;
	v2 =	vtrunc.f32 v2  }
0x112: {  	v1 =	vcvt.f32.s32 v1;
	v6 =	vcvt.f32.s32 v2;
	v2 =	vld [tilespmem:s1+$0x6C50]  }
0x113: {  	v4 =	vadd.f32 $1.000000000e+00, v4;
	v3 =	vmul.f32 v3, v0  }
0x114: {  	v7 =	vmul.u32 $0x18, v1;
	v1 =	vld [tilespmem:s1+$0x7C50]  }
0x115: {  	v4 =	vmul.f32 v4, v0;
	v5 =	vmul.f32 $2.400000000e+01, v3  }
0x116: {  	s10 =	simm.s32 $0xC0;
	v3 =	vadd.s32 v6, v7  }
.LBB2_2:
0x117: {  	s12 =	sshra.s32 s10, $0x2;
	p1 =	sne.s32 s10, $0x3F40;
	s10 =	sadd.s32 $0x40, s10;
	v6 =	vadd.f32 $1.000000000e+00, v2;
	v5 =	vtrunc.f32 v5;
	v4 =	vmul.f32 $2.400000000e+01, v4;
	[tilespmem:s31+$0x8C50] =	vst v3  }
.Ltmp2:
0x118: {  	s31 =	smov.u32 s30;
	s30 =	smov.u32 s1;
	v2 =	vld [tilespmem:s12+$0x6C50];
	v3 =	vcvt.f32.s32 v5;
	(pc) =	sbr.rel @p1 .LBB2_2-.Ltmp2, $4  }
0x119: {  	s1 =	smov.u32 s12;
	v5 =	vmul.f32 v6, v0;
	v6 =	vadd.f32 $1.000000000e+00, v1;
	v4 =	vtrunc.f32 v4  }
0x11a: {  	v1 =	vld [tilespmem:s1+$0x7C50];
	v7 =	vcvt.f32.s32 v4;
	v3 =	vmul.u32 $0x18, v3  }
0x11b: {  	v5 =	vmul.f32 $2.400000000e+01, v5;
	v4 =	vmul.f32 v6, v0  }
0x11c: {  	v3 =	vadd.s32 v7, v3  }
0x11d: {  	v2 =	vadd.f32 $1.000000000e+00, v2;
	_ =	sdelay $0x1  }
0x11e: {  	v2 =	vmul.f32 v2, v0;
	v1 =	vadd.f32 $1.000000000e+00, v1  }
0x11f: {  	v5 =	vtrunc.f32 v5  }
0x120: {  	v2 =	vmul.f32 $2.400000000e+01, v2;
	v1 =	vmul.f32 v1, v0  }
0x121: {  	v4 =	vmul.f32 $2.400000000e+01, v4;
	v5 =	vcvt.f32.s32 v5  }
0x122: {  	v2 =	vtrunc.f32 v2;
	v1 =	vmul.f32 $2.400000000e+01, v1  }
0x123: {  	v4 =	vtrunc.f32 v4;
	v2 =	vcvt.f32.s32 v2  }
.Ltmp3:
0x124: {  	v4 =	vcvt.f32.s32 v4;
	v5 =	vmul.u32 $0x18, v5;
	v1 =	vtrunc.f32 v1;
	(pc) =	sbr.rel .LBB2_4-.Ltmp3, $4  }
0x125: {  	v1 =	vcvt.f32.s32 v1;
	v2 =	vmul.u32 $0x18, v2  }
0x126: {  	[tilespmem:s31+$0x8C50] =	vst v3;
	v3 =	vadd.s32 v4, v5  }
0x127: {  	[tilespmem:s30+$0x8C50] =	vst v3;
	v1 =	vadd.s32 v1, v2  }
0x128: {  	s31 =	simm.s32 $0x8C50;
	s30 =	simm.s32 $0x0;
	[tilespmem:s1+$0x8C50] =	vst v1  }
.LBB2_6:
0x129: {  	s1 =	sadd.s32 s30, s8;
	s30 =	sadd.s32 $0xC00, s30  }
0x12a: {  	p1 =	sne.s32 s30, $0x60000  }
.Ltmp4:
0x12b: {  	_ = 	snop;
	(pc) =	sbr.rel @!p1 .LBB2_7-.Ltmp4, $4  }
0x12c: {  	_ =	swait.ge [sflag:s28], $0x3000  }
0x12d: {  	[sflag:s28] =	ssyncset.done $0x0  }
0x12e: {  	s31 =	sadd.s32 $0x20, s31;
	[sflag:s28] =	ssyncadd.s32 $0xFFFFD000  }
0x12f: {  	[hbm4b:s1+s3] =	stream.linear.scatter [tilespmem:s0], [sflag:$0x4], $0x3000, $0x38;
	[tilespmem:$0xFC30] =	vst v63  }
.LBB2_4:
0x130: {  	p1 =	seq.s32 s30, $0x0  }
0x131: {  	s1 =	simm.s32 @!p1 $0x4  }
0x132: {  	_ =	swait.ge @!p1 [sflag:s1], $0x3000  }
0x133: {  	[sflag:s1] =	ssyncset.done @!p1 $0x0  }
0x134: {  	[sflag:s1] =	ssyncadd.s32 @!p1 $0xFFFFD000  }
0x135: {  	v1 =	vld [tilespmem:s31+$0xFFFFFFF0];
	_ =	sdelay $0x4  }
0x136: {  	v1 =	vmul.u32 $0xC00, v1;
	_ =	sdelay $0x1  }
0x137: {  	v1 =	vshra.s32 v1, $0x2  }
0x138: {  	v1 =	vadd.s32 s2, v1  }
0x139: {  	(v2sf) =	vpush v1, $0x0;
	_ =	sdelay $0xb  }
0x13a: {  	(v2sf) =	vpush v1, $0x1;
	_ =	sdelay $0x2  }
0x13b: {  	s1 =	spop (v2sf)  }
0x13c: {  	[tilespmem:s0], [sflag:$0x2] =	stream.linear.gather [spmem:s1], $0x80, $0x38;
	[tilespmem:$0xFC30] =	vst v63  }
0x13d: {  	s12 =	simm.s32 $0xD030;
	s10 =	sadd.s32 $0x80, s1  }
0x13e: {  	[tilespmem:s12], [sflag:$0x2] =	stream.linear.gather [spmem:s10], $0x80, $0x38;
	[tilespmem:$0xFC30] =	vst v63  }
0x13f: {  	s10 =	sadd.s32 $0x100, s1;
	s12 =	simm.s32 $0xD430  }
0x140: {  	[tilespmem:s12], [sflag:$0x2] =	stream.linear.gather [spmem:s10], $0x80, $0x38;
	[tilespmem:$0xFC30] =	vst v63  }
0x141: {  	s10 =	sadd.s32 $0x180, s1;
	s12 =	simm.s32 $0xD830  }
0x142: {  	[tilespmem:s12], [sflag:$0x2] =	stream.linear.gather [spmem:s10], $0x80, $0x38;
	[tilespmem:$0xFC30] =	vst v63  }
0x143: {  	s10 =	sadd.s32 $0x200, s1;
	s12 =	simm.s32 $0xDC30  }
0x144: {  	(v2sf) =	vpush v1, $0x2;
	[tilespmem:s12], [sflag:$0x2] =	stream.linear.gather [spmem:s10], $0x80, $0x38;
	[tilespmem:$0xFC30] =	vst v63  }
0x145: {  	s1 =	sadd.s32 $0x280, s1;
	s12 =	simm.s32 $0xE030  }
0x146: {  	[tilespmem:s12], [sflag:$0x2] =	stream.linear.gather [spmem:s1], $0x80, $0x38;
	[tilespmem:$0xFC30] =	vst v63  }
0x147: {  	s1 =	spop (v2sf);
	s12 =	simm.s32 $0xCCB0  }
0x148: {  	[tilespmem:s12], [sflag:$0x2] =	stream.linear.gather [spmem:s1], $0x80, $0x38;
	[tilespmem:$0xFC30] =	vst v63  }
0x149: {  	s10 =	sadd.s32 $0x80, s1;
	s12 =	simm.s32 $0xD0B0  }
0x14a: {  	[tilespmem:s12], [sflag:$0x2] =	stream.linear.gather [spmem:s10], $0x80, $0x38;
	[tilespmem:$0xFC30] =	vst v63  }
0x14b: {  	s10 =	sadd.s32 $0x100, s1;
	s12 =	simm.s32 $0xD4B0  }
0x14c: {  	[tilespmem:s12], [sflag:$0x2] =	stream.linear.gather [spmem:s10], $0x80, $0x38;
	[tilespmem:$0xFC30] =	vst v63  }
0x14d: {  	s10 =	sadd.s32 $0x180, s1;
	s12 =	simm.s32 $0xD8B0  }
0x14e: {  	[tilespmem:s12], [sflag:$0x2] =	stream.linear.gather [spmem:s10], $0x80, $0x38;
	[tilespmem:$0xFC30] =	vst v63  }
0x14f: {  	s10 =	sadd.s32 $0x200, s1;
	s12 =	simm.s32 $0xDCB0  }
0x150: {  	(v2sf) =	vpush v1, $0x3;
	[tilespmem:s12], [sflag:$0x2] =	stream.linear.gather [spmem:s10], $0x80, $0x38;
	[tilespmem:$0xFC30] =	vst v63  }
0x151: {  	s1 =	sadd.s32 $0x280, s1;
	s12 =	simm.s32 $0xE0B0  }
0x152: {  	[tilespmem:s12], [sflag:$0x2] =	stream.linear.gather [spmem:s1], $0x80, $0x38;
	[tilespmem:$0xFC30] =	vst v63  }
0x153: {  	s1 =	spop (v2sf);
	s12 =	simm.s32 $0xCD30  }
0x154: {  	[tilespmem:s12], [sflag:$0x2] =	stream.linear.gather [spmem:s1], $0x80, $0x38;
	[tilespmem:$0xFC30] =	vst v63  }
0x155: {  	s10 =	sadd.s32 $0x80, s1;
	s12 =	simm.s32 $0xD130  }
0x156: {  	[tilespmem:s12], [sflag:$0x2] =	stream.linear.gather [spmem:s10], $0x80, $0x38;
	[tilespmem:$0xFC30] =	vst v63  }
0x157: {  	s10 =	sadd.s32 $0x100, s1;
	s12 =	simm.s32 $0xD530  }
0x158: {  	[tilespmem:s12], [sflag:$0x2] =	stream.linear.gather [spmem:s10], $0x80, $0x38;
	[tilespmem:$0xFC30] =	vst v63  }
0x159: {  	s10 =	sadd.s32 $0x180, s1;
	s12 =	simm.s32 $0xD930  }
0x15a: {  	[tilespmem:s12], [sflag:$0x2] =	stream.linear.gather [spmem:s10], $0x80, $0x38;
	[tilespmem:$0xFC30] =	vst v63  }
0x15b: {  	s10 =	sadd.s32 $0x200, s1;
	s12 =	simm.s32 $0xDD30  }
0x15c: {  	(v2sf) =	vpush v1, $0x4;
	[tilespmem:s12], [sflag:$0x2] =	stream.linear.gather [spmem:s10], $0x80, $0x38;
	[tilespmem:$0xFC30] =	vst v63  }
0x15d: {  	s1 =	sadd.s32 $0x280, s1;
	s12 =	simm.s32 $0xE130  }
0x15e: {  	[tilespmem:s12], [sflag:$0x2] =	stream.linear.gather [spmem:s1], $0x80, $0x38;
	[tilespmem:$0xFC30] =	vst v63  }
0x15f: {  	s1 =	spop (v2sf);
	s12 =	simm.s32 $0xCDB0  }
0x160: {  	[tilespmem:s12], [sflag:$0x2] =	stream.linear.gather [spmem:s1], $0x80, $0x38;
	[tilespmem:$0xFC30] =	vst v63  }
0x161: {  	s10 =	sadd.s32 $0x80, s1;
	s12 =	simm.s32 $0xD1B0  }
0x162: {  	[tilespmem:s12], [sflag:$0x2] =	stream.linear.gather [spmem:s10], $0x80, $0x38;
	[tilespmem:$0xFC30] =	vst v63  }
0x163: {  	s10 =	sadd.s32 $0x100, s1;
	s12 =	simm.s32 $0xD5B0  }
0x164: {  	[tilespmem:s12], [sflag:$0x2] =	stream.linear.gather [spmem:s10], $0x80, $0x38;
	[tilespmem:$0xFC30] =	vst v63  }
0x165: {  	s10 =	sadd.s32 $0x180, s1;
	s12 =	simm.s32 $0xD9B0  }
0x166: {  	[tilespmem:s12], [sflag:$0x2] =	stream.linear.gather [spmem:s10], $0x80, $0x38;
	[tilespmem:$0xFC30] =	vst v63  }
0x167: {  	s10 =	sadd.s32 $0x200, s1;
	s12 =	simm.s32 $0xDDB0  }
0x168: {  	(v2sf) =	vpush v1, $0x5;
	[tilespmem:s12], [sflag:$0x2] =	stream.linear.gather [spmem:s10], $0x80, $0x38;
	[tilespmem:$0xFC30] =	vst v63  }
0x169: {  	s1 =	sadd.s32 $0x280, s1;
	s12 =	simm.s32 $0xE1B0  }
0x16a: {  	[tilespmem:s12], [sflag:$0x2] =	stream.linear.gather [spmem:s1], $0x80, $0x38;
	[tilespmem:$0xFC30] =	vst v63  }
0x16b: {  	s1 =	spop (v2sf);
	s12 =	simm.s32 $0xCE30  }
0x16c: {  	[tilespmem:s12], [sflag:$0x2] =	stream.linear.gather [spmem:s1], $0x80, $0x38;
	[tilespmem:$0xFC30] =	vst v63  }
0x16d: {  	s10 =	sadd.s32 $0x80, s1;
	s12 =	simm.s32 $0xD230  }
0x16e: {  	[tilespmem:s12], [sflag:$0x2] =	stream.linear.gather [spmem:s10], $0x80, $0x38;
	[tilespmem:$0xFC30] =	vst v63  }
0x16f: {  	s10 =	sadd.s32 $0x100, s1;
	s12 =	simm.s32 $0xD630  }
0x170: {  	[tilespmem:s12], [sflag:$0x2] =	stream.linear.gather [spmem:s10], $0x80, $0x38;
	[tilespmem:$0xFC30] =	vst v63  }
0x171: {  	s10 =	sadd.s32 $0x180, s1;
	s12 =	simm.s32 $0xDA30  }
0x172: {  	[tilespmem:s12], [sflag:$0x2] =	stream.linear.gather [spmem:s10], $0x80, $0x38;
	[tilespmem:$0xFC30] =	vst v63  }
0x173: {  	s10 =	sadd.s32 $0x200, s1;
	s12 =	simm.s32 $0xDE30  }
0x174: {  	(v2sf) =	vpush v1, $0x6;
	[tilespmem:s12], [sflag:$0x2] =	stream.linear.gather [spmem:s10], $0x80, $0x38;
	[tilespmem:$0xFC30] =	vst v63  }
0x175: {  	s1 =	sadd.s32 $0x280, s1;
	s12 =	simm.s32 $0xE230  }
0x176: {  	[tilespmem:s12], [sflag:$0x2] =	stream.linear.gather [spmem:s1], $0x80, $0x38;
	[tilespmem:$0xFC30] =	vst v63  }
0x177: {  	s1 =	spop (v2sf);
	s12 =	simm.s32 $0xCEB0  }
0x178: {  	[tilespmem:s12], [sflag:$0x2] =	stream.linear.gather [spmem:s1], $0x80, $0x38;
	[tilespmem:$0xFC30] =	vst v63  }
0x179: {  	s10 =	sadd.s32 $0x80, s1;
	s12 =	simm.s32 $0xD2B0  }
0x17a: {  	[tilespmem:s12], [sflag:$0x2] =	stream.linear.gather [spmem:s10], $0x80, $0x38;
	[tilespmem:$0xFC30] =	vst v63  }
0x17b: {  	s10 =	sadd.s32 $0x100, s1;
	s12 =	simm.s32 $0xD6B0  }
0x17c: {  	[tilespmem:s12], [sflag:$0x2] =	stream.linear.gather [spmem:s10], $0x80, $0x38;
	[tilespmem:$0xFC30] =	vst v63  }
0x17d: {  	s10 =	sadd.s32 $0x180, s1;
	s12 =	simm.s32 $0xDAB0  }
0x17e: {  	[tilespmem:s12], [sflag:$0x2] =	stream.linear.gather [spmem:s10], $0x80, $0x38;
	[tilespmem:$0xFC30] =	vst v63  }
0x17f: {  	s10 =	sadd.s32 $0x200, s1;
	s12 =	simm.s32 $0xDEB0  }
0x180: {  	(v2sf) =	vpush v1, $0x7;
	[tilespmem:s12], [sflag:$0x2] =	stream.linear.gather [spmem:s10], $0x80, $0x38;
	[tilespmem:$0xFC30] =	vst v63  }
0x181: {  	s1 =	sadd.s32 $0x280, s1;
	s12 =	simm.s32 $0xE2B0  }
0x182: {  	[tilespmem:s12], [sflag:$0x2] =	stream.linear.gather [spmem:s1], $0x80, $0x38;
	[tilespmem:$0xFC30] =	vst v63  }
0x183: {  	s1 =	spop (v2sf);
	s12 =	simm.s32 $0xCF30  }
0x184: {  	[tilespmem:s12], [sflag:$0x2] =	stream.linear.gather [spmem:s1], $0x80, $0x38;
	[tilespmem:$0xFC30] =	vst v63  }
0x185: {  	s10 =	sadd.s32 $0x80, s1;
	s12 =	simm.s32 $0xD330  }
0x186: {  	[tilespmem:s12], [sflag:$0x2] =	stream.linear.gather [spmem:s10], $0x80, $0x38;
	[tilespmem:$0xFC30] =	vst v63  }
0x187: {  	s10 =	sadd.s32 $0x100, s1;
	s12 =	simm.s32 $0xD730  }
0x188: {  	[tilespmem:s12], [sflag:$0x2] =	stream.linear.gather [spmem:s10], $0x80, $0x38;
	[tilespmem:$0xFC30] =	vst v63  }
0x189: {  	s10 =	sadd.s32 $0x180, s1;
	s12 =	simm.s32 $0xDB30  }
0x18a: {  	[tilespmem:s12], [sflag:$0x2] =	stream.linear.gather [spmem:s10], $0x80, $0x38;
	[tilespmem:$0xFC30] =	vst v63  }
0x18b: {  	s10 =	sadd.s32 $0x200, s1;
	s12 =	simm.s32 $0xDF30  }
0x18c: {  	(v2sf) =	vpush v1, $0x8;
	[tilespmem:s12], [sflag:$0x2] =	stream.linear.gather [spmem:s10], $0x80, $0x38;
	[tilespmem:$0xFC30] =	vst v63  }
0x18d: {  	s1 =	sadd.s32 $0x280, s1;
	s12 =	simm.s32 $0xE330  }
0x18e: {  	[tilespmem:s12], [sflag:$0x2] =	stream.linear.gather [spmem:s1], $0x80, $0x38;
	[tilespmem:$0xFC30] =	vst v63  }
0x18f: {  	s1 =	spop (v2sf);
	s12 =	simm.s32 $0xCFB0  }
0x190: {  	[tilespmem:s12], [sflag:$0x2] =	stream.linear.gather [spmem:s1], $0x80, $0x38;
	[tilespmem:$0xFC30] =	vst v63  }
0x191: {  	s10 =	sadd.s32 $0x80, s1;
	s12 =	simm.s32 $0xD3B0  }
0x192: {  	[tilespmem:s12], [sflag:$0x2] =	stream.linear.gather [spmem:s10], $0x80, $0x38;
	[tilespmem:$0xFC30] =	vst v63  }
0x193: {  	s10 =	sadd.s32 $0x100, s1;
	s12 =	simm.s32 $0xD7B0  }
0x194: {  	[tilespmem:s12], [sflag:$0x2] =	stream.linear.gather [spmem:s10], $0x80, $0x38;
	[tilespmem:$0xFC30] =	vst v63  }
0x195: {  	s10 =	sadd.s32 $0x180, s1;
	s12 =	simm.s32 $0xDBB0  }
0x196: {  	[tilespmem:s12], [sflag:$0x2] =	stream.linear.gather [spmem:s10], $0x80, $0x38;
	[tilespmem:$0xFC30] =	vst v63  }
0x197: {  	s10 =	sadd.s32 $0x200, s1;
	s12 =	simm.s32 $0xDFB0  }
0x198: {  	(v2sf) =	vpush v1, $0x9;
	[tilespmem:s12], [sflag:$0x2] =	stream.linear.gather [spmem:s10], $0x80, $0x38;
	[tilespmem:$0xFC30] =	vst v63  }
0x199: {  	s1 =	sadd.s32 $0x280, s1;
	s12 =	simm.s32 $0xE3B0  }
0x19a: {  	[tilespmem:s12], [sflag:$0x2] =	stream.linear.gather [spmem:s1], $0x80, $0x38;
	[tilespmem:$0xFC30] =	vst v63  }
0x19b: {  	s1 =	spop (v2sf);
	s12 =	simm.s32 $0xE430  }
0x19c: {  	[tilespmem:s12], [sflag:$0x2] =	stream.linear.gather [spmem:s1], $0x80, $0x38;
	[tilespmem:$0xFC30] =	vst v63  }
0x19d: {  	s10 =	sadd.s32 $0x80, s1;
	s12 =	simm.s32 $0xE830  }
0x19e: {  	[tilespmem:s12], [sflag:$0x2] =	stream.linear.gather [spmem:s10], $0x80, $0x38;
	[tilespmem:$0xFC30] =	vst v63  }
0x19f: {  	s10 =	sadd.s32 $0x100, s1;
	s12 =	simm.s32 $0xEC30  }
0x1a0: {  	[tilespmem:s12], [sflag:$0x2] =	stream.linear.gather [spmem:s10], $0x80, $0x38;
	[tilespmem:$0xFC30] =	vst v63  }
0x1a1: {  	s10 =	sadd.s32 $0x180, s1;
	s12 =	simm.s32 $0xF030  }
0x1a2: {  	[tilespmem:s12], [sflag:$0x2] =	stream.linear.gather [spmem:s10], $0x80, $0x38;
	[tilespmem:$0xFC30] =	vst v63  }
0x1a3: {  	s10 =	sadd.s32 $0x200, s1;
	s12 =	simm.s32 $0xF430  }
0x1a4: {  	(v2sf) =	vpush v1, $0xA;
	[tilespmem:s12], [sflag:$0x2] =	stream.linear.gather [spmem:s10], $0x80, $0x38;
	[tilespmem:$0xFC30] =	vst v63  }
0x1a5: {  	s1 =	sadd.s32 $0x280, s1;
	s12 =	simm.s32 $0xF830  }
0x1a6: {  	[tilespmem:s12], [sflag:$0x2] =	stream.linear.gather [spmem:s1], $0x80, $0x38;
	[tilespmem:$0xFC30] =	vst v63  }
0x1a7: {  	s1 =	spop (v2sf);
	s12 =	simm.s32 $0xE4B0  }
0x1a8: {  	[tilespmem:s12], [sflag:$0x2] =	stream.linear.gather [spmem:s1], $0x80, $0x38;
	[tilespmem:$0xFC30] =	vst v63  }
0x1a9: {  	s10 =	sadd.s32 $0x80, s1;
	s12 =	simm.s32 $0xE8B0  }
0x1aa: {  	[tilespmem:s12], [sflag:$0x2] =	stream.linear.gather [spmem:s10], $0x80, $0x38;
	[tilespmem:$0xFC30] =	vst v63  }
0x1ab: {  	s10 =	sadd.s32 $0x100, s1;
	s12 =	simm.s32 $0xECB0  }
0x1ac: {  	[tilespmem:s12], [sflag:$0x2] =	stream.linear.gather [spmem:s10], $0x80, $0x38;
	[tilespmem:$0xFC30] =	vst v63  }
0x1ad: {  	s10 =	sadd.s32 $0x180, s1;
	s12 =	simm.s32 $0xF0B0  }
0x1ae: {  	[tilespmem:s12], [sflag:$0x2] =	stream.linear.gather [spmem:s10], $0x80, $0x38;
	[tilespmem:$0xFC30] =	vst v63  }
0x1af: {  	s10 =	sadd.s32 $0x200, s1;
	s12 =	simm.s32 $0xF4B0  }
0x1b0: {  	(v2sf) =	vpush v1, $0xB;
	[tilespmem:s12], [sflag:$0x2] =	stream.linear.gather [spmem:s10], $0x80, $0x38;
	[tilespmem:$0xFC30] =	vst v63  }
0x1b1: {  	s1 =	sadd.s32 $0x280, s1;
	s12 =	simm.s32 $0xF8B0  }
0x1b2: {  	[tilespmem:s12], [sflag:$0x2] =	stream.linear.gather [spmem:s1], $0x80, $0x38;
	[tilespmem:$0xFC30] =	vst v63  }
0x1b3: {  	s1 =	spop (v2sf);
	s12 =	simm.s32 $0xE530  }
0x1b4: {  	[tilespmem:s12], [sflag:$0x2] =	stream.linear.gather [spmem:s1], $0x80, $0x38;
	[tilespmem:$0xFC30] =	vst v63  }
0x1b5: {  	s10 =	sadd.s32 $0x80, s1;
	s12 =	simm.s32 $0xE930  }
0x1b6: {  	[tilespmem:s12], [sflag:$0x2] =	stream.linear.gather [spmem:s10], $0x80, $0x38;
	[tilespmem:$0xFC30] =	vst v63  }
0x1b7: {  	s10 =	sadd.s32 $0x100, s1;
	s12 =	simm.s32 $0xED30  }
0x1b8: {  	[tilespmem:s12], [sflag:$0x2] =	stream.linear.gather [spmem:s10], $0x80, $0x38;
	[tilespmem:$0xFC30] =	vst v63  }
0x1b9: {  	s10 =	sadd.s32 $0x180, s1;
	s12 =	simm.s32 $0xF130  }
0x1ba: {  	[tilespmem:s12], [sflag:$0x2] =	stream.linear.gather [spmem:s10], $0x80, $0x38;
	[tilespmem:$0xFC30] =	vst v63  }
0x1bb: {  	s10 =	sadd.s32 $0x200, s1;
	s12 =	simm.s32 $0xF530  }
0x1bc: {  	(v2sf) =	vpush v1, $0xC;
	[tilespmem:s12], [sflag:$0x2] =	stream.linear.gather [spmem:s10], $0x80, $0x38;
	[tilespmem:$0xFC30] =	vst v63  }
0x1bd: {  	s1 =	sadd.s32 $0x280, s1;
	s12 =	simm.s32 $0xF930  }
0x1be: {  	[tilespmem:s12], [sflag:$0x2] =	stream.linear.gather [spmem:s1], $0x80, $0x38;
	[tilespmem:$0xFC30] =	vst v63  }
0x1bf: {  	s1 =	spop (v2sf);
	s12 =	simm.s32 $0xE5B0  }
0x1c0: {  	[tilespmem:s12], [sflag:$0x2] =	stream.linear.gather [spmem:s1], $0x80, $0x38;
	[tilespmem:$0xFC30] =	vst v63  }
0x1c1: {  	s10 =	sadd.s32 $0x80, s1;
	s12 =	simm.s32 $0xE9B0  }
0x1c2: {  	[tilespmem:s12], [sflag:$0x2] =	stream.linear.gather [spmem:s10], $0x80, $0x38;
	[tilespmem:$0xFC30] =	vst v63  }
0x1c3: {  	s10 =	sadd.s32 $0x100, s1;
	s12 =	simm.s32 $0xEDB0  }
0x1c4: {  	[tilespmem:s12], [sflag:$0x2] =	stream.linear.gather [spmem:s10], $0x80, $0x38;
	[tilespmem:$0xFC30] =	vst v63  }
0x1c5: {  	s10 =	sadd.s32 $0x180, s1;
	s12 =	simm.s32 $0xF1B0  }
0x1c6: {  	[tilespmem:s12], [sflag:$0x2] =	stream.linear.gather [spmem:s10], $0x80, $0x38;
	[tilespmem:$0xFC30] =	vst v63  }
0x1c7: {  	s10 =	sadd.s32 $0x200, s1;
	s12 =	simm.s32 $0xF5B0  }
0x1c8: {  	(v2sf) =	vpush v1, $0xD;
	[tilespmem:s12], [sflag:$0x2] =	stream.linear.gather [spmem:s10], $0x80, $0x38;
	[tilespmem:$0xFC30] =	vst v63  }
0x1c9: {  	s1 =	sadd.s32 $0x280, s1;
	s12 =	simm.s32 $0xF9B0  }
0x1ca: {  	[tilespmem:s12], [sflag:$0x2] =	stream.linear.gather [spmem:s1], $0x80, $0x38;
	[tilespmem:$0xFC30] =	vst v63  }
0x1cb: {  	s1 =	spop (v2sf);
	s12 =	simm.s32 $0xE630  }
0x1cc: {  	[tilespmem:s12], [sflag:$0x2] =	stream.linear.gather [spmem:s1], $0x80, $0x38;
	[tilespmem:$0xFC30] =	vst v63  }
0x1cd: {  	s10 =	sadd.s32 $0x80, s1;
	s12 =	simm.s32 $0xEA30  }
0x1ce: {  	[tilespmem:s12], [sflag:$0x2] =	stream.linear.gather [spmem:s10], $0x80, $0x38;
	[tilespmem:$0xFC30] =	vst v63  }
0x1cf: {  	s10 =	sadd.s32 $0x100, s1;
	s12 =	simm.s32 $0xEE30  }
0x1d0: {  	[tilespmem:s12], [sflag:$0x2] =	stream.linear.gather [spmem:s10], $0x80, $0x38;
	[tilespmem:$0xFC30] =	vst v63  }
0x1d1: {  	s10 =	sadd.s32 $0x180, s1;
	s12 =	simm.s32 $0xF230  }
0x1d2: {  	[tilespmem:s12], [sflag:$0x2] =	stream.linear.gather [spmem:s10], $0x80, $0x38;
	[tilespmem:$0xFC30] =	vst v63  }
0x1d3: {  	s10 =	sadd.s32 $0x200, s1;
	s12 =	simm.s32 $0xF630  }
0x1d4: {  	(v2sf) =	vpush v1, $0xE;
	[tilespmem:s12], [sflag:$0x2] =	stream.linear.gather [spmem:s10], $0x80, $0x38;
	[tilespmem:$0xFC30] =	vst v63  }
0x1d5: {  	s1 =	sadd.s32 $0x280, s1;
	s12 =	simm.s32 $0xFA30  }
0x1d6: {  	[tilespmem:s12], [sflag:$0x2] =	stream.linear.gather [spmem:s1], $0x80, $0x38;
	[tilespmem:$0xFC30] =	vst v63  }
0x1d7: {  	s1 =	spop (v2sf);
	s12 =	simm.s32 $0xE6B0  }
0x1d8: {  	[tilespmem:s12], [sflag:$0x2] =	stream.linear.gather [spmem:s1], $0x80, $0x38;
	[tilespmem:$0xFC30] =	vst v63  }
0x1d9: {  	s12 =	sadd.s32 $0x80, s1  }
0x1da: {  	[tilespmem:s5], [sflag:$0x2] =	stream.linear.gather [spmem:s12], $0x80, $0x38;
	[tilespmem:$0xFC30] =	vst v63  }
0x1db: {  	s12 =	sadd.s32 $0x100, s1  }
0x1dc: {  	[tilespmem:s6], [sflag:$0x2] =	stream.linear.gather [spmem:s12], $0x80, $0x38;
	[tilespmem:$0xFC30] =	vst v63  }
0x1dd: {  	s12 =	sadd.s32 $0x180, s1  }
0x1de: {  	[tilespmem:s9], [sflag:$0x2] =	stream.linear.gather [spmem:s12], $0x80, $0x38;
	[tilespmem:$0xFC30] =	vst v63  }
0x1df: {  	s12 =	sadd.s32 $0x200, s1  }
0x1e0: {  	(v2sf) =	vpush v1, $0xF;
	[tilespmem:s4], [sflag:$0x2] =	stream.linear.gather [spmem:s12], $0x80, $0x38;
	[tilespmem:$0xFC30] =	vst v63  }
0x1e1: {  	s1 =	sadd.s32 $0x280, s1  }
0x1e2: {  	[tilespmem:s11], [sflag:$0x2] =	stream.linear.gather [spmem:s1], $0x80, $0x38;
	[tilespmem:$0xFC30] =	vst v63  }
0x1e3: {  	s1 =	spop (v2sf)  }
0x1e4: {  	[tilespmem:s14], [sflag:$0x2] =	stream.linear.gather [spmem:s1], $0x80, $0x38;
	[tilespmem:$0xFC30] =	vst v63  }
0x1e5: {  	s12 =	sadd.s32 $0x80, s1  }
0x1e6: {  	[tilespmem:s15], [sflag:$0x2] =	stream.linear.gather [spmem:s12], $0x80, $0x38;
	[tilespmem:$0xFC30] =	vst v63  }
0x1e7: {  	s12 =	sadd.s32 $0x100, s1  }
0x1e8: {  	[tilespmem:s16], [sflag:$0x2] =	stream.linear.gather [spmem:s12], $0x80, $0x38;
	[tilespmem:$0xFC30] =	vst v63  }
0x1e9: {  	s12 =	sadd.s32 $0x180, s1  }
0x1ea: {  	[tilespmem:s17], [sflag:$0x2] =	stream.linear.gather [spmem:s12], $0x80, $0x38;
	[tilespmem:$0xFC30] =	vst v63  }
0x1eb: {  	s12 =	sadd.s32 $0x200, s1  }
0x1ec: {  	[tilespmem:s18], [sflag:$0x2] =	stream.linear.gather [spmem:s12], $0x80, $0x38;
	[tilespmem:$0xFC30] =	vst v63  }
0x1ed: {  	s1 =	sadd.s32 $0x280, s1  }
0x1ee: {  	[tilespmem:s19], [sflag:$0x2] =	stream.linear.gather [spmem:s1], $0x80, $0x38;
	[tilespmem:$0xFC30] =	vst v63  }
0x1ef: {  	s1 =	spop (v2sf)  }
0x1f0: {  	[tilespmem:s20], [sflag:$0x2] =	stream.linear.gather [spmem:s1], $0x80, $0x38;
	[tilespmem:$0xFC30] =	vst v63  }
0x1f1: {  	s12 =	sadd.s32 $0x80, s1  }
0x1f2: {  	[tilespmem:s21], [sflag:$0x2] =	stream.linear.gather [spmem:s12], $0x80, $0x38;
	[tilespmem:$0xFC30] =	vst v63  }
0x1f3: {  	s12 =	sadd.s32 $0x100, s1  }
0x1f4: {  	[tilespmem:s22], [sflag:$0x2] =	stream.linear.gather [spmem:s12], $0x80, $0x38;
	[tilespmem:$0xFC30] =	vst v63  }
0x1f5: {  	s12 =	sadd.s32 $0x180, s1  }
0x1f6: {  	[tilespmem:s23], [sflag:$0x2] =	stream.linear.gather [spmem:s12], $0x80, $0x38;
	[tilespmem:$0xFC30] =	vst v63  }
0x1f7: {  	s12 =	sadd.s32 $0x200, s1  }
0x1f8: {  	[tilespmem:s24], [sflag:$0x2] =	stream.linear.gather [spmem:s12], $0x80, $0x38;
	[tilespmem:$0xFC30] =	vst v63  }
0x1f9: {  	p1 =	seq.s32 s30, $0x5F400;
	s1 =	sadd.s32 $0x280, s1  }
0x1fa: {  	[tilespmem:s25], [sflag:$0x2] =	stream.linear.gather [spmem:s1], $0x80, $0x38;
	[tilespmem:$0xFC30] =	vst v63  }
.Ltmp5:
0x1fb: {  	_ = 	snop;
	(pc) =	sbr.rel @p1 .LBB2_6-.Ltmp5, $4  }
0x1fc: {  	_ =	swait.ge [sflag:s26], $0x3000  }
0x1fd: {  	[sflag:s26] =	ssyncset.done $0x0  }
0x1fe: {  	s12 =	sadd.s32 s30, s7;
	[sflag:s26] =	ssyncadd.s32 $0xFFFFD000  }
0x1ff: {  	[hbm4b:s12+s3] =	stream.linear.scatter [tilespmem:s13], [sflag:$0x3], $0x3000, $0x38;
	[tilespmem:$0xFC30] =	vst v63  }
0x200: {  	_ =	swait.ge [sflag:s29], $0x3000  }
0x201: {  	[sflag:s29] =	ssyncset.done $0x0  }
0x202: {  	[sflag:s29] =	ssyncadd.s32 $0xFFFFD000  }
0x203: {  	v1 =	vld [tilespmem:s31+$0x0];
	_ =	sdelay $0x4  }
0x204: {  	v1 =	vmul.u32 $0xC00, v1;
	_ =	sdelay $0x1  }
0x205: {  	v1 =	vshra.s32 v1, $0x2  }
0x206: {  	v1 =	vadd.s32 s2, v1  }
0x207: {  	(v2sf) =	vpush v1, $0x0;
	_ =	sdelay $0xb  }
0x208: {  	(v2sf) =	vpush v1, $0x1;
	_ =	sdelay $0x2  }
0x209: {  	s1 =	spop (v2sf)  }
0x20a: {  	[tilespmem:s13], [sflag:$0x1] =	stream.linear.gather [spmem:s1], $0x80, $0x38;
	[tilespmem:$0xFC30] =	vst v63  }
0x20b: {  	s12 =	simm.s32 $0xA030;
	s10 =	sadd.s32 $0x80, s1  }
0x20c: {  	[tilespmem:s12], [sflag:$0x1] =	stream.linear.gather [spmem:s10], $0x80, $0x38;
	[tilespmem:$0xFC30] =	vst v63  }
0x20d: {  	s10 =	sadd.s32 $0x100, s1;
	s12 =	simm.s32 $0xA430  }
0x20e: {  	[tilespmem:s12], [sflag:$0x1] =	stream.linear.gather [spmem:s10], $0x80, $0x38;
	[tilespmem:$0xFC30] =	vst v63  }
0x20f: {  	s10 =	sadd.s32 $0x180, s1;
	s12 =	simm.s32 $0xA830  }
0x210: {  	[tilespmem:s12], [sflag:$0x1] =	stream.linear.gather [spmem:s10], $0x80, $0x38;
	[tilespmem:$0xFC30] =	vst v63  }
0x211: {  	s10 =	sadd.s32 $0x200, s1;
	s12 =	simm.s32 $0xAC30  }
0x212: {  	(v2sf) =	vpush v1, $0x2;
	[tilespmem:s12], [sflag:$0x1] =	stream.linear.gather [spmem:s10], $0x80, $0x38;
	[tilespmem:$0xFC30] =	vst v63  }
0x213: {  	s1 =	sadd.s32 $0x280, s1;
	s12 =	simm.s32 $0xB030  }
0x214: {  	[tilespmem:s12], [sflag:$0x1] =	stream.linear.gather [spmem:s1], $0x80, $0x38;
	[tilespmem:$0xFC30] =	vst v63  }
0x215: {  	s1 =	spop (v2sf);
	s12 =	simm.s32 $0x9CB0  }
0x216: {  	[tilespmem:s12], [sflag:$0x1] =	stream.linear.gather [spmem:s1], $0x80, $0x38;
	[tilespmem:$0xFC30] =	vst v63  }
0x217: {  	s10 =	sadd.s32 $0x80, s1;
	s12 =	simm.s32 $0xA0B0  }
0x218: {  	[tilespmem:s12], [sflag:$0x1] =	stream.linear.gather [spmem:s10], $0x80, $0x38;
	[tilespmem:$0xFC30] =	vst v63  }
0x219: {  	s10 =	sadd.s32 $0x100, s1;
	s12 =	simm.s32 $0xA4B0  }
0x21a: {  	[tilespmem:s12], [sflag:$0x1] =	stream.linear.gather [spmem:s10], $0x80, $0x38;
	[tilespmem:$0xFC30] =	vst v63  }
0x21b: {  	s10 =	sadd.s32 $0x180, s1;
	s12 =	simm.s32 $0xA8B0  }
0x21c: {  	[tilespmem:s12], [sflag:$0x1] =	stream.linear.gather [spmem:s10], $0x80, $0x38;
	[tilespmem:$0xFC30] =	vst v63  }
0x21d: {  	s10 =	sadd.s32 $0x200, s1;
	s12 =	simm.s32 $0xACB0  }
0x21e: {  	(v2sf) =	vpush v1, $0x3;
	[tilespmem:s12], [sflag:$0x1] =	stream.linear.gather [spmem:s10], $0x80, $0x38;
	[tilespmem:$0xFC30] =	vst v63  }
0x21f: {  	s1 =	sadd.s32 $0x280, s1;
	s12 =	simm.s32 $0xB0B0  }
0x220: {  	[tilespmem:s12], [sflag:$0x1] =	stream.linear.gather [spmem:s1], $0x80, $0x38;
	[tilespmem:$0xFC30] =	vst v63  }
0x221: {  	s1 =	spop (v2sf);
	s12 =	simm.s32 $0x9D30  }
0x222: {  	[tilespmem:s12], [sflag:$0x1] =	stream.linear.gather [spmem:s1], $0x80, $0x38;
	[tilespmem:$0xFC30] =	vst v63  }
0x223: {  	s10 =	sadd.s32 $0x80, s1;
	s12 =	simm.s32 $0xA130  }
0x224: {  	[tilespmem:s12], [sflag:$0x1] =	stream.linear.gather [spmem:s10], $0x80, $0x38;
	[tilespmem:$0xFC30] =	vst v63  }
0x225: {  	s10 =	sadd.s32 $0x100, s1;
	s12 =	simm.s32 $0xA530  }
0x226: {  	[tilespmem:s12], [sflag:$0x1] =	stream.linear.gather [spmem:s10], $0x80, $0x38;
	[tilespmem:$0xFC30] =	vst v63  }
0x227: {  	s10 =	sadd.s32 $0x180, s1;
	s12 =	simm.s32 $0xA930  }
0x228: {  	[tilespmem:s12], [sflag:$0x1] =	stream.linear.gather [spmem:s10], $0x80, $0x38;
	[tilespmem:$0xFC30] =	vst v63  }
0x229: {  	s10 =	sadd.s32 $0x200, s1;
	s12 =	simm.s32 $0xAD30  }
0x22a: {  	(v2sf) =	vpush v1, $0x4;
	[tilespmem:s12], [sflag:$0x1] =	stream.linear.gather [spmem:s10], $0x80, $0x38;
	[tilespmem:$0xFC30] =	vst v63  }
0x22b: {  	s1 =	sadd.s32 $0x280, s1;
	s12 =	simm.s32 $0xB130  }
0x22c: {  	[tilespmem:s12], [sflag:$0x1] =	stream.linear.gather [spmem:s1], $0x80, $0x38;
	[tilespmem:$0xFC30] =	vst v63  }
0x22d: {  	s1 =	spop (v2sf);
	s12 =	simm.s32 $0x9DB0  }
0x22e: {  	[tilespmem:s12], [sflag:$0x1] =	stream.linear.gather [spmem:s1], $0x80, $0x38;
	[tilespmem:$0xFC30] =	vst v63  }
0x22f: {  	s10 =	sadd.s32 $0x80, s1;
	s12 =	simm.s32 $0xA1B0  }
0x230: {  	[tilespmem:s12], [sflag:$0x1] =	stream.linear.gather [spmem:s10], $0x80, $0x38;
	[tilespmem:$0xFC30] =	vst v63  }
0x231: {  	s10 =	sadd.s32 $0x100, s1;
	s12 =	simm.s32 $0xA5B0  }
0x232: {  	[tilespmem:s12], [sflag:$0x1] =	stream.linear.gather [spmem:s10], $0x80, $0x38;
	[tilespmem:$0xFC30] =	vst v63  }
0x233: {  	s10 =	sadd.s32 $0x180, s1;
	s12 =	simm.s32 $0xA9B0  }
0x234: {  	[tilespmem:s12], [sflag:$0x1] =	stream.linear.gather [spmem:s10], $0x80, $0x38;
	[tilespmem:$0xFC30] =	vst v63  }
0x235: {  	s10 =	sadd.s32 $0x200, s1;
	s12 =	simm.s32 $0xADB0  }
0x236: {  	(v2sf) =	vpush v1, $0x5;
	[tilespmem:s12], [sflag:$0x1] =	stream.linear.gather [spmem:s10], $0x80, $0x38;
	[tilespmem:$0xFC30] =	vst v63  }
0x237: {  	s1 =	sadd.s32 $0x280, s1;
	s12 =	simm.s32 $0xB1B0  }
0x238: {  	[tilespmem:s12], [sflag:$0x1] =	stream.linear.gather [spmem:s1], $0x80, $0x38;
	[tilespmem:$0xFC30] =	vst v63  }
0x239: {  	s1 =	spop (v2sf);
	s12 =	simm.s32 $0x9E30  }
0x23a: {  	[tilespmem:s12], [sflag:$0x1] =	stream.linear.gather [spmem:s1], $0x80, $0x38;
	[tilespmem:$0xFC30] =	vst v63  }
0x23b: {  	s10 =	sadd.s32 $0x80, s1;
	s12 =	simm.s32 $0xA230  }
0x23c: {  	[tilespmem:s12], [sflag:$0x1] =	stream.linear.gather [spmem:s10], $0x80, $0x38;
	[tilespmem:$0xFC30] =	vst v63  }
0x23d: {  	s10 =	sadd.s32 $0x100, s1;
	s12 =	simm.s32 $0xA630  }
0x23e: {  	[tilespmem:s12], [sflag:$0x1] =	stream.linear.gather [spmem:s10], $0x80, $0x38;
	[tilespmem:$0xFC30] =	vst v63  }
0x23f: {  	s10 =	sadd.s32 $0x180, s1;
	s12 =	simm.s32 $0xAA30  }
0x240: {  	[tilespmem:s12], [sflag:$0x1] =	stream.linear.gather [spmem:s10], $0x80, $0x38;
	[tilespmem:$0xFC30] =	vst v63  }
0x241: {  	s10 =	sadd.s32 $0x200, s1;
	s12 =	simm.s32 $0xAE30  }
0x242: {  	(v2sf) =	vpush v1, $0x6;
	[tilespmem:s12], [sflag:$0x1] =	stream.linear.gather [spmem:s10], $0x80, $0x38;
	[tilespmem:$0xFC30] =	vst v63  }
0x243: {  	s1 =	sadd.s32 $0x280, s1;
	s12 =	simm.s32 $0xB230  }
0x244: {  	[tilespmem:s12], [sflag:$0x1] =	stream.linear.gather [spmem:s1], $0x80, $0x38;
	[tilespmem:$0xFC30] =	vst v63  }
0x245: {  	s1 =	spop (v2sf);
	s12 =	simm.s32 $0x9EB0  }
0x246: {  	[tilespmem:s12], [sflag:$0x1] =	stream.linear.gather [spmem:s1], $0x80, $0x38;
	[tilespmem:$0xFC30] =	vst v63  }
0x247: {  	s10 =	sadd.s32 $0x80, s1;
	s12 =	simm.s32 $0xA2B0  }
0x248: {  	[tilespmem:s12], [sflag:$0x1] =	stream.linear.gather [spmem:s10], $0x80, $0x38;
	[tilespmem:$0xFC30] =	vst v63  }
0x249: {  	s10 =	sadd.s32 $0x100, s1;
	s12 =	simm.s32 $0xA6B0  }
0x24a: {  	[tilespmem:s12], [sflag:$0x1] =	stream.linear.gather [spmem:s10], $0x80, $0x38;
	[tilespmem:$0xFC30] =	vst v63  }
0x24b: {  	s10 =	sadd.s32 $0x180, s1;
	s12 =	simm.s32 $0xAAB0  }
0x24c: {  	[tilespmem:s12], [sflag:$0x1] =	stream.linear.gather [spmem:s10], $0x80, $0x38;
	[tilespmem:$0xFC30] =	vst v63  }
0x24d: {  	s10 =	sadd.s32 $0x200, s1;
	s12 =	simm.s32 $0xAEB0  }
0x24e: {  	(v2sf) =	vpush v1, $0x7;
	[tilespmem:s12], [sflag:$0x1] =	stream.linear.gather [spmem:s10], $0x80, $0x38;
	[tilespmem:$0xFC30] =	vst v63  }
0x24f: {  	s1 =	sadd.s32 $0x280, s1;
	s12 =	simm.s32 $0xB2B0  }
0x250: {  	[tilespmem:s12], [sflag:$0x1] =	stream.linear.gather [spmem:s1], $0x80, $0x38;
	[tilespmem:$0xFC30] =	vst v63  }
0x251: {  	s1 =	spop (v2sf);
	s12 =	simm.s32 $0x9F30  }
0x252: {  	[tilespmem:s12], [sflag:$0x1] =	stream.linear.gather [spmem:s1], $0x80, $0x38;
	[tilespmem:$0xFC30] =	vst v63  }
0x253: {  	s10 =	sadd.s32 $0x80, s1;
	s12 =	simm.s32 $0xA330  }
0x254: {  	[tilespmem:s12], [sflag:$0x1] =	stream.linear.gather [spmem:s10], $0x80, $0x38;
	[tilespmem:$0xFC30] =	vst v63  }
0x255: {  	s10 =	sadd.s32 $0x100, s1;
	s12 =	simm.s32 $0xA730  }
0x256: {  	[tilespmem:s12], [sflag:$0x1] =	stream.linear.gather [spmem:s10], $0x80, $0x38;
	[tilespmem:$0xFC30] =	vst v63  }
0x257: {  	s10 =	sadd.s32 $0x180, s1;
	s12 =	simm.s32 $0xAB30  }
0x258: {  	[tilespmem:s12], [sflag:$0x1] =	stream.linear.gather [spmem:s10], $0x80, $0x38;
	[tilespmem:$0xFC30] =	vst v63  }
0x259: {  	s10 =	sadd.s32 $0x200, s1;
	s12 =	simm.s32 $0xAF30  }
0x25a: {  	(v2sf) =	vpush v1, $0x8;
	[tilespmem:s12], [sflag:$0x1] =	stream.linear.gather [spmem:s10], $0x80, $0x38;
	[tilespmem:$0xFC30] =	vst v63  }
0x25b: {  	s1 =	sadd.s32 $0x280, s1;
	s12 =	simm.s32 $0xB330  }
0x25c: {  	[tilespmem:s12], [sflag:$0x1] =	stream.linear.gather [spmem:s1], $0x80, $0x38;
	[tilespmem:$0xFC30] =	vst v63  }
0x25d: {  	s1 =	spop (v2sf);
	s12 =	simm.s32 $0x9FB0  }
0x25e: {  	[tilespmem:s12], [sflag:$0x1] =	stream.linear.gather [spmem:s1], $0x80, $0x38;
	[tilespmem:$0xFC30] =	vst v63  }
0x25f: {  	s10 =	sadd.s32 $0x80, s1;
	s12 =	simm.s32 $0xA3B0  }
0x260: {  	[tilespmem:s12], [sflag:$0x1] =	stream.linear.gather [spmem:s10], $0x80, $0x38;
	[tilespmem:$0xFC30] =	vst v63  }
0x261: {  	s10 =	sadd.s32 $0x100, s1;
	s12 =	simm.s32 $0xA7B0  }
0x262: {  	[tilespmem:s12], [sflag:$0x1] =	stream.linear.gather [spmem:s10], $0x80, $0x38;
	[tilespmem:$0xFC30] =	vst v63  }
0x263: {  	s10 =	sadd.s32 $0x180, s1;
	s12 =	simm.s32 $0xABB0  }
0x264: {  	[tilespmem:s12], [sflag:$0x1] =	stream.linear.gather [spmem:s10], $0x80, $0x38;
	[tilespmem:$0xFC30] =	vst v63  }
0x265: {  	s10 =	sadd.s32 $0x200, s1;
	s12 =	simm.s32 $0xAFB0  }
0x266: {  	(v2sf) =	vpush v1, $0x9;
	[tilespmem:s12], [sflag:$0x1] =	stream.linear.gather [spmem:s10], $0x80, $0x38;
	[tilespmem:$0xFC30] =	vst v63  }
0x267: {  	s1 =	sadd.s32 $0x280, s1;
	s12 =	simm.s32 $0xB3B0  }
0x268: {  	[tilespmem:s12], [sflag:$0x1] =	stream.linear.gather [spmem:s1], $0x80, $0x38;
	[tilespmem:$0xFC30] =	vst v63  }
0x269: {  	s1 =	spop (v2sf);
	s12 =	simm.s32 $0xB430  }
0x26a: {  	[tilespmem:s12], [sflag:$0x1] =	stream.linear.gather [spmem:s1], $0x80, $0x38;
	[tilespmem:$0xFC30] =	vst v63  }
0x26b: {  	s10 =	sadd.s32 $0x80, s1;
	s12 =	simm.s32 $0xB830  }
0x26c: {  	[tilespmem:s12], [sflag:$0x1] =	stream.linear.gather [spmem:s10], $0x80, $0x38;
	[tilespmem:$0xFC30] =	vst v63  }
0x26d: {  	s10 =	sadd.s32 $0x100, s1;
	s12 =	simm.s32 $0xBC30  }
0x26e: {  	[tilespmem:s12], [sflag:$0x1] =	stream.linear.gather [spmem:s10], $0x80, $0x38;
	[tilespmem:$0xFC30] =	vst v63  }
0x26f: {  	s10 =	sadd.s32 $0x180, s1;
	s12 =	simm.s32 $0xC030  }
0x270: {  	[tilespmem:s12], [sflag:$0x1] =	stream.linear.gather [spmem:s10], $0x80, $0x38;
	[tilespmem:$0xFC30] =	vst v63  }
0x271: {  	s10 =	sadd.s32 $0x200, s1;
	s12 =	simm.s32 $0xC430  }
0x272: {  	(v2sf) =	vpush v1, $0xA;
	[tilespmem:s12], [sflag:$0x1] =	stream.linear.gather [spmem:s10], $0x80, $0x38;
	[tilespmem:$0xFC30] =	vst v63  }
0x273: {  	s1 =	sadd.s32 $0x280, s1;
	s12 =	simm.s32 $0xC830  }
0x274: {  	[tilespmem:s12], [sflag:$0x1] =	stream.linear.gather [spmem:s1], $0x80, $0x38;
	[tilespmem:$0xFC30] =	vst v63  }
0x275: {  	s1 =	spop (v2sf);
	s12 =	simm.s32 $0xB4B0  }
0x276: {  	[tilespmem:s12], [sflag:$0x1] =	stream.linear.gather [spmem:s1], $0x80, $0x38;
	[tilespmem:$0xFC30] =	vst v63  }
0x277: {  	s10 =	sadd.s32 $0x80, s1;
	s12 =	simm.s32 $0xB8B0  }
0x278: {  	[tilespmem:s12], [sflag:$0x1] =	stream.linear.gather [spmem:s10], $0x80, $0x38;
	[tilespmem:$0xFC30] =	vst v63  }
0x279: {  	s10 =	sadd.s32 $0x100, s1;
	s12 =	simm.s32 $0xBCB0  }
0x27a: {  	[tilespmem:s12], [sflag:$0x1] =	stream.linear.gather [spmem:s10], $0x80, $0x38;
	[tilespmem:$0xFC30] =	vst v63  }
0x27b: {  	s10 =	sadd.s32 $0x180, s1;
	s12 =	simm.s32 $0xC0B0  }
0x27c: {  	[tilespmem:s12], [sflag:$0x1] =	stream.linear.gather [spmem:s10], $0x80, $0x38;
	[tilespmem:$0xFC30] =	vst v63  }
0x27d: {  	s10 =	sadd.s32 $0x200, s1;
	s12 =	simm.s32 $0xC4B0  }
0x27e: {  	(v2sf) =	vpush v1, $0xB;
	[tilespmem:s12], [sflag:$0x1] =	stream.linear.gather [spmem:s10], $0x80, $0x38;
	[tilespmem:$0xFC30] =	vst v63  }
0x27f: {  	s1 =	sadd.s32 $0x280, s1;
	s12 =	simm.s32 $0xC8B0  }
0x280: {  	[tilespmem:s12], [sflag:$0x1] =	stream.linear.gather [spmem:s1], $0x80, $0x38;
	[tilespmem:$0xFC30] =	vst v63  }
0x281: {  	s1 =	spop (v2sf);
	s12 =	simm.s32 $0xB530  }
0x282: {  	[tilespmem:s12], [sflag:$0x1] =	stream.linear.gather [spmem:s1], $0x80, $0x38;
	[tilespmem:$0xFC30] =	vst v63  }
0x283: {  	s10 =	sadd.s32 $0x80, s1;
	s12 =	simm.s32 $0xB930  }
0x284: {  	[tilespmem:s12], [sflag:$0x1] =	stream.linear.gather [spmem:s10], $0x80, $0x38;
	[tilespmem:$0xFC30] =	vst v63  }
0x285: {  	s10 =	sadd.s32 $0x100, s1;
	s12 =	simm.s32 $0xBD30  }
0x286: {  	[tilespmem:s12], [sflag:$0x1] =	stream.linear.gather [spmem:s10], $0x80, $0x38;
	[tilespmem:$0xFC30] =	vst v63  }
0x287: {  	s10 =	sadd.s32 $0x180, s1;
	s12 =	simm.s32 $0xC130  }
0x288: {  	[tilespmem:s12], [sflag:$0x1] =	stream.linear.gather [spmem:s10], $0x80, $0x38;
	[tilespmem:$0xFC30] =	vst v63  }
0x289: {  	s10 =	sadd.s32 $0x200, s1;
	s12 =	simm.s32 $0xC530  }
0x28a: {  	(v2sf) =	vpush v1, $0xC;
	[tilespmem:s12], [sflag:$0x1] =	stream.linear.gather [spmem:s10], $0x80, $0x38;
	[tilespmem:$0xFC30] =	vst v63  }
0x28b: {  	s1 =	sadd.s32 $0x280, s1;
	s12 =	simm.s32 $0xC930  }
0x28c: {  	[tilespmem:s12], [sflag:$0x1] =	stream.linear.gather [spmem:s1], $0x80, $0x38;
	[tilespmem:$0xFC30] =	vst v63  }
0x28d: {  	s1 =	spop (v2sf);
	s12 =	simm.s32 $0xB5B0  }
0x28e: {  	[tilespmem:s12], [sflag:$0x1] =	stream.linear.gather [spmem:s1], $0x80, $0x38;
	[tilespmem:$0xFC30] =	vst v63  }
0x28f: {  	s10 =	sadd.s32 $0x80, s1;
	s12 =	simm.s32 $0xB9B0  }
0x290: {  	[tilespmem:s12], [sflag:$0x1] =	stream.linear.gather [spmem:s10], $0x80, $0x38;
	[tilespmem:$0xFC30] =	vst v63  }
0x291: {  	s10 =	sadd.s32 $0x100, s1;
	s12 =	simm.s32 $0xBDB0  }
0x292: {  	[tilespmem:s12], [sflag:$0x1] =	stream.linear.gather [spmem:s10], $0x80, $0x38;
	[tilespmem:$0xFC30] =	vst v63  }
0x293: {  	s10 =	sadd.s32 $0x180, s1;
	s12 =	simm.s32 $0xC1B0  }
0x294: {  	[tilespmem:s12], [sflag:$0x1] =	stream.linear.gather [spmem:s10], $0x80, $0x38;
	[tilespmem:$0xFC30] =	vst v63  }
0x295: {  	s10 =	sadd.s32 $0x200, s1;
	s12 =	simm.s32 $0xC5B0  }
0x296: {  	(v2sf) =	vpush v1, $0xD;
	[tilespmem:s12], [sflag:$0x1] =	stream.linear.gather [spmem:s10], $0x80, $0x38;
	[tilespmem:$0xFC30] =	vst v63  }
0x297: {  	s1 =	sadd.s32 $0x280, s1;
	s12 =	simm.s32 $0xC9B0  }
0x298: {  	[tilespmem:s12], [sflag:$0x1] =	stream.linear.gather [spmem:s1], $0x80, $0x38;
	[tilespmem:$0xFC30] =	vst v63  }
0x299: {  	s1 =	spop (v2sf);
	s12 =	simm.s32 $0xB630  }
0x29a: {  	[tilespmem:s12], [sflag:$0x1] =	stream.linear.gather [spmem:s1], $0x80, $0x38;
	[tilespmem:$0xFC30] =	vst v63  }
0x29b: {  	s10 =	sadd.s32 $0x80, s1;
	s12 =	simm.s32 $0xBA30  }
0x29c: {  	[tilespmem:s12], [sflag:$0x1] =	stream.linear.gather [spmem:s10], $0x80, $0x38;
	[tilespmem:$0xFC30] =	vst v63  }
0x29d: {  	s10 =	sadd.s32 $0x100, s1;
	s12 =	simm.s32 $0xBE30  }
0x29e: {  	[tilespmem:s12], [sflag:$0x1] =	stream.linear.gather [spmem:s10], $0x80, $0x38;
	[tilespmem:$0xFC30] =	vst v63  }
0x29f: {  	s10 =	sadd.s32 $0x180, s1;
	s12 =	simm.s32 $0xC230  }
0x2a0: {  	[tilespmem:s12], [sflag:$0x1] =	stream.linear.gather [spmem:s10], $0x80, $0x38;
	[tilespmem:$0xFC30] =	vst v63  }
0x2a1: {  	s10 =	sadd.s32 $0x200, s1;
	s12 =	simm.s32 $0xC630  }
0x2a2: {  	(v2sf) =	vpush v1, $0xE;
	[tilespmem:s12], [sflag:$0x1] =	stream.linear.gather [spmem:s10], $0x80, $0x38;
	[tilespmem:$0xFC30] =	vst v63  }
0x2a3: {  	s1 =	sadd.s32 $0x280, s1;
	s12 =	simm.s32 $0xCA30  }
0x2a4: {  	[tilespmem:s12], [sflag:$0x1] =	stream.linear.gather [spmem:s1], $0x80, $0x38;
	[tilespmem:$0xFC30] =	vst v63  }
0x2a5: {  	s1 =	spop (v2sf);
	s12 =	simm.s32 $0xB6B0  }
0x2a6: {  	[tilespmem:s12], [sflag:$0x1] =	stream.linear.gather [spmem:s1], $0x80, $0x38;
	[tilespmem:$0xFC30] =	vst v63  }
0x2a7: {  	s10 =	sadd.s32 $0x80, s1;
	s12 =	simm.s32 $0xBAB0  }
0x2a8: {  	[tilespmem:s12], [sflag:$0x1] =	stream.linear.gather [spmem:s10], $0x80, $0x38;
	[tilespmem:$0xFC30] =	vst v63  }
0x2a9: {  	s10 =	sadd.s32 $0x100, s1;
	s12 =	simm.s32 $0xBEB0  }
0x2aa: {  	[tilespmem:s12], [sflag:$0x1] =	stream.linear.gather [spmem:s10], $0x80, $0x38;
	[tilespmem:$0xFC30] =	vst v63  }
0x2ab: {  	s10 =	sadd.s32 $0x180, s1;
	s12 =	simm.s32 $0xC2B0  }
0x2ac: {  	[tilespmem:s12], [sflag:$0x1] =	stream.linear.gather [spmem:s10], $0x80, $0x38;
	[tilespmem:$0xFC30] =	vst v63  }
0x2ad: {  	s10 =	sadd.s32 $0x200, s1;
	s12 =	simm.s32 $0xC6B0  }
0x2ae: {  	(v2sf) =	vpush v1, $0xF;
	[tilespmem:s12], [sflag:$0x1] =	stream.linear.gather [spmem:s10], $0x80, $0x38;
	[tilespmem:$0xFC30] =	vst v63  }
0x2af: {  	s1 =	sadd.s32 $0x280, s1;
	s12 =	simm.s32 $0xCAB0  }
0x2b0: {  	[tilespmem:s12], [sflag:$0x1] =	stream.linear.gather [spmem:s1], $0x80, $0x38;
	[tilespmem:$0xFC30] =	vst v63  }
0x2b1: {  	s1 =	spop (v2sf);
	s12 =	simm.s32 $0xB730  }
0x2b2: {  	[tilespmem:s12], [sflag:$0x1] =	stream.linear.gather [spmem:s1], $0x80, $0x38;
	[tilespmem:$0xFC30] =	vst v63  }
0x2b3: {  	s10 =	sadd.s32 $0x80, s1;
	s12 =	simm.s32 $0xBB30  }
0x2b4: {  	[tilespmem:s12], [sflag:$0x1] =	stream.linear.gather [spmem:s10], $0x80, $0x38;
	[tilespmem:$0xFC30] =	vst v63  }
0x2b5: {  	s10 =	sadd.s32 $0x100, s1;
	s12 =	simm.s32 $0xBF30  }
0x2b6: {  	[tilespmem:s12], [sflag:$0x1] =	stream.linear.gather [spmem:s10], $0x80, $0x38;
	[tilespmem:$0xFC30] =	vst v63  }
0x2b7: {  	s10 =	sadd.s32 $0x180, s1;
	s12 =	simm.s32 $0xC330  }
0x2b8: {  	[tilespmem:s12], [sflag:$0x1] =	stream.linear.gather [spmem:s10], $0x80, $0x38;
	[tilespmem:$0xFC30] =	vst v63  }
0x2b9: {  	s10 =	sadd.s32 $0x200, s1;
	s12 =	simm.s32 $0xC730  }
0x2ba: {  	[tilespmem:s12], [sflag:$0x1] =	stream.linear.gather [spmem:s10], $0x80, $0x38;
	[tilespmem:$0xFC30] =	vst v63  }
0x2bb: {  	s1 =	sadd.s32 $0x280, s1;
	s12 =	simm.s32 $0xCB30  }
0x2bc: {  	[tilespmem:s12], [sflag:$0x1] =	stream.linear.gather [spmem:s1], $0x80, $0x38;
	[tilespmem:$0xFC30] =	vst v63  }
0x2bd: {  	s1 =	spop (v2sf);
	s12 =	simm.s32 $0xB7B0  }
0x2be: {  	[tilespmem:s12], [sflag:$0x1] =	stream.linear.gather [spmem:s1], $0x80, $0x38;
	[tilespmem:$0xFC30] =	vst v63  }
0x2bf: {  	s10 =	sadd.s32 $0x80, s1;
	s12 =	simm.s32 $0xBBB0  }
0x2c0: {  	[tilespmem:s12], [sflag:$0x1] =	stream.linear.gather [spmem:s10], $0x80, $0x38;
	[tilespmem:$0xFC30] =	vst v63  }
0x2c1: {  	s10 =	sadd.s32 $0x100, s1;
	s12 =	simm.s32 $0xBFB0  }
0x2c2: {  	[tilespmem:s12], [sflag:$0x1] =	stream.linear.gather [spmem:s10], $0x80, $0x38;
	[tilespmem:$0xFC30] =	vst v63  }
0x2c3: {  	s10 =	sadd.s32 $0x180, s1;
	s12 =	simm.s32 $0xC3B0  }
0x2c4: {  	[tilespmem:s12], [sflag:$0x1] =	stream.linear.gather [spmem:s10], $0x80, $0x38;
	[tilespmem:$0xFC30] =	vst v63  }
.Ltmp6:
0x2c5: {  	_ = 	snop;
	(pc) =	sbr.rel .LBB2_6-.Ltmp6, $4  }
0x2c6: {  	s10 =	sadd.s32 $0x200, s1;
	s12 =	simm.s32 $0xC7B0  }
0x2c7: {  	[tilespmem:s12], [sflag:$0x1] =	stream.linear.gather [spmem:s10], $0x80, $0x38;
	[tilespmem:$0xFC30] =	vst v63  }
0x2c8: {  	s1 =	sadd.s32 $0x280, s1;
	s12 =	simm.s32 $0xCBB0  }
0x2c9: {  	[tilespmem:s12], [sflag:$0x1] =	stream.linear.gather [spmem:s1], $0x80, $0x38;
	[tilespmem:$0xFC30] =	vst v63  }
.LBB2_8:
0x2ca: {  	_ =	sfence.sel $0x180000  }
0x2cb: {  	[bflag:$0x0] =	sbarrier.arrive $0xFFFF  }
0x2cc: {  	_ =	strace $0x90000047  }
0x2cd: {  	[bflag:$0x2] =	sbarrier.arrive $0xFFFF  }
0x2ce: {  	s0 =	rddreg [dreg:$0x4]  }
0x2cf: {  	s0 =	sadd.s32 @!p0 $0x100000, s0  }
0x2d0: {  	[sflag:s0] =	ssyncadd.tile.s32 @!p0 $0x1;
	_ =	shalt  }
.Lfunc_end2:
_tile_overlayer_lowered:
.L_overlay_start_2:
0x2d1: {  	(tag) =	ssettag $0x2  }
0x2d2: {  	s0 =	rddreg [dreg:$0x0];
	s2 =	stileid.u32  }
0x2d3: {  	s1 =	rddreg [dreg:$0x1];
	p0 =	sne.s32 s2, $0x0  }
0x2d4: {  	s3 =	rddreg [dreg:$0x2];
	[bflag:$0x3] =	sbarrier.arrive $0xFFFF;
	s2 =	simm.s32 @!p0 $0x1C05  }
0x2d5: {  	[timem:s3], [sflag:s2] =	dma.local @!p0 [hbm:s0], s1  }
0x2d6: {  	s0 =	simm.s32 @!p0 $0x5  }
0x2d7: {  	_ =	swait.ge @!p0 [sflag:s0], s1  }
0x2d8: {  	s1 =	ssub.s32 @!p0 $0x0, s1;
	[sflag:s0] =	ssyncset.done @!p0 $0x0  }
0x2d9: {  	[sflag:s0] =	ssyncadd.s32 @!p0 s1  }
0x2da: {  	[bflag:$0x3] =	sbarrier.arrive $0xFFFF  }
0x2db: {  	_ =	shalt  }

</sc_bundles>
